<compile_context>
chip_gen: v7x
topology: tpu7x:2x2x1
jax: 0.10.2.dev20260603
libtpu: 0.0.44.dev20260713+nightly
codegen_flags: <defaults>
</compile_context>

<pallas_src>
import functools
import math

import jax
import jax.numpy as jnp
from jax import lax
from jax.experimental import pallas as pl
from jax.experimental.pallas import tpu as pltpu
from jax.experimental.pallas import tpu_sc as plsc

EPS = 1e-5
NC, NS, L = 2, 16, 16
NW = NC * NS
BLK = 128
EB = 48
AW = 128


def _prep_body(feat_ref, gamma_ref, beta_ref, wq_ref, bq_ref, wk_ref, wv_ref,
               qv_ref, kn_ref):
    x = feat_ref[...]
    n = x.shape[0]
    mean = jnp.sum(x, axis=0, keepdims=True) * (1.0 / n)
    xc = x - mean
    var = jnp.sum(xc * xc, axis=0, keepdims=True) * (1.0 / n)
    xn = xc * lax.rsqrt(var + EPS) * gamma_ref[...] + beta_ref[...]
    h = wq_ref.shape[1]
    qv_ref[:, :h] = -(jnp.dot(xn, wq_ref[...],
                              preferred_element_type=jnp.float32)
                      + bq_ref[...])
    qv_ref[:, h:] = jnp.dot(xn, wv_ref[...], preferred_element_type=jnp.float32)
    kn_ref[...] = -jnp.dot(xn, wk_ref[...], preferred_element_type=jnp.float32)


def _prep(feat, gamma, beta, wq, bq, wk, wv):
    n, d = feat.shape
    h = wq.shape[1]
    o = wv.shape[1]
    return pl.pallas_call(
        _prep_body,
        out_shape=[
            jax.ShapeDtypeStruct((n, h + o), jnp.float32),
            jax.ShapeDtypeStruct((n, h), jnp.float32),
        ],
    )(feat, gamma.reshape(1, d), beta.reshape(1, d), wq, bq.reshape(1, h),
      wk, wv)


def _make_edge_kernel(np_rows, np_den, nb, n_edges, ew):
    rows_per_tile = np_rows // NS
    chk = next(d for d in range(128, 0, -1) if rows_per_tile % d == 0)
    zc = next(d for d in range(min(EB, rows_per_tile), 0, -1)
              if rows_per_tile % d == 0)
    den_per_tile = np_den // NS
    mesh = plsc.VectorSubcoreMesh(core_axis_name="c", subcore_axis_name="s")

    @functools.partial(
        pl.kernel,
        out_type=[
            pltpu.HBM((NC, np_rows, AW), jnp.float32),
            pltpu.HBM((NC, np_den), jnp.float32),
        ],
        mesh=mesh,
        compiler_params=pltpu.CompilerParams(needs_layout_passes=False,
                                             use_tc_tiling_on_sc=False),
        scratch_types=[
            pltpu.VMEM((nb, 32), jnp.int32),
            pltpu.VMEM((nb, EB), jnp.int32),
            [pltpu.VMEM((EB,), jnp.int32)] * 2,
            [pltpu.VMEM((EB, 256), jnp.bfloat16)] * 2,
            [pltpu.VMEM((EB, 128), jnp.bfloat16)] * 2,
            [pltpu.VMEM((EB, 128), jnp.float32)] * 2,
            [pltpu.VMEM((EB,), jnp.float32)] * 2,
            pltpu.VMEM((128,), jnp.float32),
            pltpu.VMEM((BLK,), jnp.float32),
            pltpu.VMEM_SHARED((np_rows, AW), jnp.float32),
            pltpu.VMEM_SHARED((np_den,), jnp.float32),
            [pltpu.SemaphoreType.DMA] * 2,
            [pltpu.SemaphoreType.DMA] * 2,
        ],
    )
    def edge_kernel(qv_hbm, kn_hbm, src_hbm, dst_hbm, we_hbm,
                    out_hbm, den_hbm,
                    src_c, dst_v, srcs, qvbufs, kbufs, obufs, wbufs,
                    we_v, zblk, acc, dacc, gsems, ssems):
        c = lax.axis_index("c")
        s = lax.axis_index("s")
        wid = c * NS + s

        zero16 = jnp.zeros((L,), jnp.float32)

        @pl.loop(0, EB)
        def _zero_rows(r):
            for i in range(AW // L):
                obufs[0][r, i * L:(i + 1) * L] = zero16

        @pl.loop(0, BLK // L)
        def _zero_w(r):
            zblk[pl.ds(r * L, L)] = zero16

        base = s * rows_per_tile

        @pl.loop(0, rows_per_tile // zc)
        def _zero_acc(b):
            pltpu.sync_copy(obufs[0].at[pl.ds(0, zc)],
                            acc.at[pl.ds(base + b * zc, zc)])

        dbase = s * den_per_tile

        @pl.loop(0, den_per_tile // BLK)
        def _zero_dacc(b):
            pltpu.sync_copy(zblk, dacc.at[pl.ds(dbase + b * BLK, BLK)])

        pltpu.sync_copy(src_hbm.at[wid], src_c)
        pltpu.sync_copy(dst_hbm.at[wid], dst_v)
        pltpu.sync_copy(we_hbm, we_v)
        wec = [we_v[i * L:(i + 1) * L] for i in range(128 // L)]
        lane_ids = lax.iota(jnp.int32, L)
        lane0_mask = lane_ids == 0
        edge_base = wid * ew

        plsc.subcore_barrier()

        def unpack_src(b, jj):
            pk = src_c[jj, 0:L]
            srcs[b][pl.ds(0, L)] = pk & 0xFFFF
            srcs[b][pl.ds(L, L)] = lax.shift_right_logical(pk, 16)
            srcs[b][pl.ds(2 * L, L)] = src_c[jj, L:2 * L]

        def start_gathers(b, jj):
            pltpu.async_copy(qv_hbm.at[srcs[b]], qvbufs[b], gsems[b])
            pltpu.async_copy(kn_hbm.at[dst_v.at[jj]], kbufs[b], gsems[b])

        def wait_gathers(b, jj):
            pltpu.make_async_copy(qv_hbm.at[srcs[b]], qvbufs[b],
                                  gsems[b]).wait()
            pltpu.make_async_copy(kn_hbm.at[dst_v.at[jj]], kbufs[b],
                                  gsems[b]).wait()

        def start_scatters(b, jj):
            pltpu.async_copy(obufs[b], acc.at[dst_v.at[jj]], ssems[b],
                             add=True)
            pltpu.async_copy(wbufs[b], dacc.at[dst_v.at[jj]], ssems[b],
                             add=True)

        def wait_scatters(b, jj):
            pltpu.make_async_copy(obufs[b], acc.at[dst_v.at[jj]],
                                  ssems[b]).wait()
            pltpu.make_async_copy(wbufs[b], dacc.at[dst_v.at[jj]],
                                  ssems[b]).wait()

        for b in range(2):
            unpack_src(b, b)
            start_gathers(b, b)

        @pl.loop(0, nb, step=2)
        def _pair(j):
            for b in range(2):
                jj = j + b
                wait_gathers(b, jj)

                @pl.when(jj >= 2)
                def _drain():
                    wait_scatters(b, jj - 2)

                qvbuf, kbuf, obuf, wbuf = (
                    qvbufs[b], kbufs[b], obufs[b], wbufs[b])
                blk_base = edge_base + jj * EB

                start_scatters(b, jj)

                @pl.when(jj + 2 < nb)
                def _prefetch():
                    unpack_src(b, jj + 2)
                    start_gathers(b, jj + 2)

        wait_scatters(0, nb - 2)
        wait_scatters(1, nb - 1)

        plsc.subcore_barrier()

        @pl.loop(0, rows_per_tile // chk)
        def _writeback(b):
            off = base + b * chk
            pltpu.sync_copy(acc.at[pl.ds(off, chk)],
                            out_hbm.at[c, pl.ds(off, chk)])

        @pl.loop(0, den_per_tile // BLK)
        def _writeback_den(b):
            off = dbase + b * BLK
            pltpu.sync_copy(dacc.at[pl.ds(off, BLK)],
                            den_hbm.at[c, pl.ds(off, BLK)])

    return edge_kernel


def _fin_body(n, o, acc_ref, den_ref, out_ref):
    num = acc_ref[0, :n, :o] + acc_ref[1, :n, :o]
    den = (den_ref[0, :n] + den_ref[1, :n])[:, None]
    out_ref[...] = jnp.where(den != 0.0, num / den, 0.0)


def _finalize(acc, den, n, o):
    return pl.pallas_call(
        functools.partial(_fin_body, n, o),
        out_shape=jax.ShapeDtypeStruct((n, o), jnp.float32),
    )(acc, den)


def _ileave(x):
    n0, f = x.shape
    y = x.reshape(n0, f // 32, 2, 16)
    return jnp.transpose(y, (0, 1, 3, 2)).reshape(n0, f)


def kernel(feat, edge_index, gamma, beta, Wq, bq, Wk, Wv, We):
    n, d = feat.shape
    o = Wv.shape[1]
    e = edge_index.shape[1]

    qv, kn = _prep(feat, gamma, beta, Wq, bq, Wk, Wv)
    qv = _ileave(qv).astype(jnp.bfloat16)
    kn = _ileave(kn).astype(jnp.bfloat16)

    ew = math.ceil(e / (NW * 2 * EB)) * (2 * EB)
    ep = ew * NW
    nb = ew // EB
    src = jnp.concatenate(
        [edge_index[0], jnp.zeros((ep - e,), jnp.int32)]).reshape(NW, nb, EB)
    src_c = jnp.concatenate(
        [src[:, :, 0:16] | (src[:, :, 16:32] << 16), src[:, :, 32:48]],
        axis=2)
    dst = jnp.concatenate(
        [edge_index[1], jnp.zeros((ep - e,), jnp.int32)]).reshape(NW, nb, EB)

    np_rows = math.ceil(n / NS) * NS
    np_den = math.ceil(n / (NS * BLK)) * (NS * BLK)
    edge_kernel = _make_edge_kernel(np_rows, np_den, nb, e, ew)
    acc, den = edge_kernel(qv, kn, src_c, dst, We.reshape(-1))

    return _finalize(acc, den, n, o)

# --- scband reference (transcript-rebuilt; emitter-appended) ---
"""Pipeline reference for scband-pill-16655883174587 (READ-ONLY COPY).

The authoritative reference and input builder live on the scoring server;
editing this copy changes nothing except your own understanding.
"""

import jax, jax.numpy as jnp
import numpy as np

N = 10000
E = 320000
D = 128
H = 128
O = 128
EPS = 1e-5

def setup_inputs(seed: int = 0) -> dict:
    key = jax.random.key(seed)
    ks = jax.random.split(key, 8)
    feat = jax.random.normal(ks[0], (N, D), dtype=jnp.float32)
    edge_index = jax.random.randint(ks[1], (2, E), 0, N, dtype=jnp.int32)
    # BatchNorm1d affine params
    gamma = jnp.ones((D,), dtype=jnp.float32)
    beta = jnp.zeros((D,), dtype=jnp.float32)
    # Linear layers (torch default init: U(-1/sqrt(fan_in), 1/sqrt(fan_in)))
    b = 1.0 / np.sqrt(D)
    Wq = jax.random.uniform(ks[2], (D, H), minval=-b, maxval=b, dtype=jnp.float32)
    bq = jax.random.uniform(ks[3], (H,), minval=-b, maxval=b, dtype=jnp.float32)
    Wk = jax.random.uniform(ks[4], (D, H), minval=-b, maxval=b, dtype=jnp.float32)
    Wv = jax.random.uniform(ks[5], (D, O), minval=-b, maxval=b, dtype=jnp.float32)
    bh = 1.0 / np.sqrt(H)
    We = jax.random.uniform(ks[6], (H, 1), minval=-bh, maxval=bh, dtype=jnp.float32)
    return {"feat": feat, "edge_index": edge_index, "gamma": gamma, "beta": beta,
            "Wq": Wq, "bq": bq, "Wk": Wk, "Wv": Wv, "We": We}

def reference(feat, edge_index, gamma, beta, Wq, bq, Wk, Wv, We):
    src = edge_index[0]
    dst = edge_index[1]
    # BatchNorm1d (training-mode batch stats, biased variance)
    mean = jnp.mean(feat, axis=0)
    var = jnp.var(feat, axis=0)
    x = (feat - mean) / jnp.sqrt(var + EPS) * gamma + beta
    # feat_drop = 0.0 -> identity
    q = x @ Wq + bq
    k = x @ Wk
    v = x @ Wv
    # e = u_add_v(sg, q, k): per-edge q[src] + k[dst]
    e = q[src] + k[dst]          # [E, H]
    e = jax.nn.sigmoid(e) @ We   # [E, 1]
    # edge_softmax over incoming edges of each dst node
    emax = jax.ops.segment_max(e, dst, num_segments=N)   # [N, 1]
    eexp = jnp.exp(e - emax[dst])                        # [E, 1]
    esum = jax.ops.segment_sum(eexp, dst, num_segments=N)  # [N, 1]
    a = eexp / esum[dst]                                 # [E, 1]
    # rst = u_mul_e_sum(sg, v, a): scatter-add v[src]*a into dst
    rst = jax.ops.segment_sum(v[src] * a, dst, num_segments=N)  # [N, O]
    # activation is None
    return rst

if __name__ == "__main__":
    import jax
    _d = setup_inputs()
    print(jax.jit(kernel)(*tuple(_d.values())))

</pallas_src>

<mosaic_0001>
#map = affine_map<(d0, d1) -> (0, 0)>
#map1 = affine_map<(d0, d1) -> (0, 0, 0)>
#map2 = affine_map<(d0, d1) -> (0)>
module attributes {stable_mosaic.version = 14 : i64} {
  func.func @edge_kernel(%arg0: i32, %arg1: i32, %arg2: memref<10000x256xbf16, #tpu.memory_space<hbm>>, %arg3: memref<10000x128xbf16, #tpu.memory_space<hbm>>, %arg4: memref<32x210x32xi32, #tpu.memory_space<hbm>>, %arg5: memref<32x210x48xi32, #tpu.memory_space<hbm>>, %arg6: memref<128xf32, #tpu.memory_space<hbm>>, %arg7: memref<2x10000x128xf32, #tpu.memory_space<hbm>>, %arg8: memref<2x10240xf32, #tpu.memory_space<hbm>>, %arg9: memref<210x32xi32, #tpu.memory_space<vmem>>, %arg10: memref<210x48xi32, #tpu.memory_space<vmem>>, %arg11: memref<48xi32, #tpu.memory_space<vmem>>, %arg12: memref<48xi32, #tpu.memory_space<vmem>>, %arg13: memref<48x256xbf16, #tpu.memory_space<vmem>>, %arg14: memref<48x256xbf16, #tpu.memory_space<vmem>>, %arg15: memref<48x128xbf16, #tpu.memory_space<vmem>>, %arg16: memref<48x128xbf16, #tpu.memory_space<vmem>>, %arg17: memref<48x128xf32, #tpu.memory_space<vmem>>, %arg18: memref<48x128xf32, #tpu.memory_space<vmem>>, %arg19: memref<48xf32, #tpu.memory_space<vmem>>, %arg20: memref<48xf32, #tpu.memory_space<vmem>>, %arg21: memref<128xf32, #tpu.memory_space<vmem>>, %arg22: memref<128xf32, #tpu.memory_space<vmem>>, %arg23: memref<10000x128xf32, #tpu.memory_space<vmem_shared>>, %arg24: memref<10240xf32, #tpu.memory_space<vmem_shared>>, %arg25: memref<!tpu.dma_semaphore, #tpu.memory_space<semaphore_mem>>, %arg26: memref<!tpu.dma_semaphore, #tpu.memory_space<semaphore_mem>>, %arg27: memref<!tpu.dma_semaphore, #tpu.memory_space<semaphore_mem>>, %arg28: memref<!tpu.dma_semaphore, #tpu.memory_space<semaphore_mem>>) attributes {dimension_semantics = [#tpu.dimension_semantics<core_parallel>, #tpu.dimension_semantics<subcore_parallel>], iteration_bounds = array<i64: 2, 16>, scalar_prefetch = 0 : i64, scratch_operands = 20 : i64, tpu.core_type = #tpu.core_type<sc_vector_subcore>, window_params = [{transform_indices = #map}, {transform_indices = #map}, {transform_indices = #map1}, {transform_indices = #map1}, {transform_indices = #map2}, {transform_indices = #map1}, {transform_indices = #map}]} {
    %mul3A = arith.constant 16 : i32
    %mul3A_0 = arith.muli %arg0, %mul3A : i32
    %add3A = arith.addi %mul3A_0, %arg1 : i32
    %broadcast_in_dim3A = arith.constant 0.000000e+00 : f32
    %broadcast_in_dim3A_1 = vector.broadcast %broadcast_in_dim3A : f32 to vector<16xf32>
    %scan3A = arith.constant 0 : i32
    %scan3A_2 = arith.constant 48 : i32
    %scan3A_3 = arith.addi %scan3A, %scan3A_2 : i32
    %scan3A_4 = arith.constant 1 : i32
    scf.for %scan3A_141 = %scan3A to %scan3A_3 step %scan3A_4  : i32 {
      %mul3A_142 = arith.constant 1 : i32
      %mul3A_143 = arith.muli %scan3A_141, %mul3A_142 : i32
      %add3A_144 = arith.constant 0 : i32
      %add3A_145 = arith.addi %add3A_144, %mul3A_143 : i32
      %swap3A_146 = arith.index_cast %add3A_145 : i32 to index
      %swap3A_147 = arith.constant 0 : index
      %swap3A_148 = tpu.vector_load %arg17[%swap3A_146, %swap3A_147] {strides = array<i32>} : memref<48x128xf32, #tpu.memory_space<vmem>>, vector<16xf32>,
      tpu.vector_store %arg17[%swap3A_146, %swap3A_147], %broadcast_in_dim3A_1 {strides = array<i32>} : memref<48x128xf32, #tpu.memory_space<vmem>>, vector<16xf32>,
      %swap3A_149 = arith.index_cast %add3A_145 : i32 to index
      %swap3A_150 = arith.constant 16 : index
      %swap3A_151 = tpu.vector_load %arg17[%swap3A_149, %swap3A_150] {strides = array<i32>} : memref<48x128xf32, #tpu.memory_space<vmem>>, vector<16xf32>,
      tpu.vector_store %arg17[%swap3A_149, %swap3A_150], %broadcast_in_dim3A_1 {strides = array<i32>} : memref<48x128xf32, #tpu.memory_space<vmem>>, vector<16xf32>,
      %swap3A_152 = arith.index_cast %add3A_145 : i32 to index
      %swap3A_153 = arith.constant 32 : index
      %swap3A_154 = tpu.vector_load %arg17[%swap3A_152, %swap3A_153] {strides = array<i32>} : memref<48x128xf32, #tpu.memory_space<vmem>>, vector<16xf32>,
      tpu.vector_store %arg17[%swap3A_152, %swap3A_153], %broadcast_in_dim3A_1 {strides = array<i32>} : memref<48x128xf32, #tpu.memory_space<vmem>>, vector<16xf32>,
      %swap3A_155 = arith.index_cast %add3A_145 : i32 to index
      %swap3A_156 = arith.constant 48 : index
      %swap3A_157 = tpu.vector_load %arg17[%swap3A_155, %swap3A_156] {strides = array<i32>} : memref<48x128xf32, #tpu.memory_space<vmem>>, vector<16xf32>,
      tpu.vector_store %arg17[%swap3A_155, %swap3A_156], %broadcast_in_dim3A_1 {strides = array<i32>} : memref<48x128xf32, #tpu.memory_space<vmem>>, vector<16xf32>,
      %swap3A_158 = arith.index_cast %add3A_145 : i32 to index
      %swap3A_159 = arith.constant 64 : index
      %swap3A_160 = tpu.vector_load %arg17[%swap3A_158, %swap3A_159] {strides = array<i32>} : memref<48x128xf32, #tpu.memory_space<vmem>>, vector<16xf32>,
      tpu.vector_store %arg17[%swap3A_158, %swap3A_159], %broadcast_in_dim3A_1 {strides = array<i32>} : memref<48x128xf32, #tpu.memory_space<vmem>>, vector<16xf32>,
      %swap3A_161 = arith.index_cast %add3A_145 : i32 to index
      %swap3A_162 = arith.constant 80 : index
      %swap3A_163 = tpu.vector_load %arg17[%swap3A_161, %swap3A_162] {strides = array<i32>} : memref<48x128xf32, #tpu.memory_space<vmem>>, vector<16xf32>,
      tpu.vector_store %arg17[%swap3A_161, %swap3A_162], %broadcast_in_dim3A_1 {strides = array<i32>} : memref<48x128xf32, #tpu.memory_space<vmem>>, vector<16xf32>,
      %swap3A_164 = arith.index_cast %add3A_145 : i32 to index
      %swap3A_165 = arith.constant 96 : index
      %swap3A_166 = tpu.vector_load %arg17[%swap3A_164, %swap3A_165] {strides = array<i32>} : memref<48x128xf32, #tpu.memory_space<vmem>>, vector<16xf32>,
      tpu.vector_store %arg17[%swap3A_164, %swap3A_165], %broadcast_in_dim3A_1 {strides = array<i32>} : memref<48x128xf32, #tpu.memory_space<vmem>>, vector<16xf32>,
      %swap3A_167 = arith.index_cast %add3A_145 : i32 to index
      %swap3A_168 = arith.constant 112 : index
      %swap3A_169 = tpu.vector_load %arg17[%swap3A_167, %swap3A_168] {strides = array<i32>} : memref<48x128xf32, #tpu.memory_space<vmem>>, vector<16xf32>,
      tpu.vector_store %arg17[%swap3A_167, %swap3A_168], %broadcast_in_dim3A_1 {strides = array<i32>} : memref<48x128xf32, #tpu.memory_space<vmem>>, vector<16xf32>,
    }
    %scan3A_5 = arith.constant 48 : i32
    %scan3A_6 = arith.constant 0 : i32
    %scan3A_7 = arith.constant 8 : i32
    %scan3A_8 = arith.addi %scan3A_6, %scan3A_7 : i32
    %scan3A_9 = arith.constant 1 : i32
    scf.for %scan3A_141 = %scan3A_6 to %scan3A_8 step %scan3A_9  : i32 {
      %mul3A_142 = arith.constant 1 : i32
      %mul3A_143 = arith.muli %scan3A_141, %mul3A_142 : i32
      %add3A_144 = arith.constant 0 : i32
      %add3A_145 = arith.addi %add3A_144, %mul3A_143 : i32
      %mul3A_146 = arith.constant 16 : i32
      %mul3A_147 = arith.muli %add3A_145, %mul3A_146 : i32
      %swap3A_148 = arith.index_cast %mul3A_147 : i32 to index
      %swap3A_149 = tpu.vector_load %arg22[%swap3A_148] {strides = array<i32>} : memref<128xf32, #tpu.memory_space<vmem>>, vector<16xf32>,
      tpu.vector_store %arg22[%swap3A_148], %broadcast_in_dim3A_1 {strides = array<i32>} : memref<128xf32, #tpu.memory_space<vmem>>, vector<16xf32>,
    }
    %scan3A_10 = arith.constant 8 : i32
    %mul3A_11 = arith.constant 625 : i32
    %mul3A_12 = arith.muli %arg1, %mul3A_11 : i32
    %scan3A_13 = arith.constant 0 : i32
    %scan3A_14 = arith.constant 25 : i32
    %scan3A_15 = arith.addi %scan3A_13, %scan3A_14 : i32
    %scan3A_16 = arith.constant 1 : i32
    scf.for %scan3A_141 = %scan3A_13 to %scan3A_15 step %scan3A_16  : i32 {
      %mul3A_142 = arith.constant 1 : i32
      %mul3A_143 = arith.muli %scan3A_141, %mul3A_142 : i32
      %add3A_144 = arith.constant 0 : i32
      %add3A_145 = arith.addi %add3A_144, %mul3A_143 : i32
      %mul3A_146 = arith.constant 25 : i32
      %mul3A_147 = arith.muli %add3A_145, %mul3A_146 : i32
      %add3A_148 = arith.addi %mul3A_12, %mul3A_147 : i32
      "tpu.region"() ({
        %run_scoped3A = tpu.sem_alloc : memref<!tpu.dma_semaphore, #tpu.memory_space<semaphore_mem>>
        %dma_start3A_149 = arith.constant 0 : i32
        %dma_start3A_150 = arith.constant 0 : i32
        %dma_start3A_151 = tpu.memref_slice %arg17[%dma_start3A_149, %dma_start3A_150] : memref<48x128xf32, #tpu.memory_space<vmem>> -> memref<25x128xf32, #tpu.memory_space<vmem>>
        %dma_start3A_152 = arith.constant 0 : i32
        %dma_start3A_153 = tpu.memref_slice %arg23[%add3A_148, %dma_start3A_152] : memref<10000x128xf32, #tpu.memory_space<vmem_shared>> -> memref<25x128xf32, #tpu.memory_space<vmem_shared>>
        %dma_start3A_154 = arith.constant 0 : i32
        %dma_start3A_155 = tpu.memref_slice %arg23[%add3A_148, %dma_start3A_154] : memref<10000x128xf32, #tpu.memory_space<vmem_shared>> -> memref<25x128xf32, #tpu.memory_space<vmem_shared>>
        %dma_start3A_156 = arith.constant 0 : i32
        %dma_start3A_157 = arith.constant 0 : i32
        %dma_start3A_158 = tpu.memref_slice %arg17[%dma_start3A_156, %dma_start3A_157] : memref<48x128xf32, #tpu.memory_space<vmem>> -> memref<25x128xf32, #tpu.memory_space<vmem>>
        tpu.enqueue_dma source(%dma_start3A_158 : memref<25x128xf32, #tpu.memory_space<vmem>>) target(%dma_start3A_155 : memref<25x128xf32, #tpu.memory_space<vmem_shared>>) target_semaphore(%run_scoped3A : memref<!tpu.dma_semaphore, #tpu.memory_space<semaphore_mem>>)
        %dma_wait3A_159 = arith.constant 0 : i32
        %dma_wait3A_160 = arith.constant 0 : i32
        %dma_wait3A_161 = tpu.memref_slice %arg17[%dma_wait3A_159, %dma_wait3A_160] : memref<48x128xf32, #tpu.memory_space<vmem>> -> memref<25x128xf32, #tpu.memory_space<vmem>>
        %dma_wait3A_162 = arith.constant 0 : i32
        %dma_wait3A_163 = tpu.memref_slice %arg23[%add3A_148, %dma_wait3A_162] : memref<10000x128xf32, #tpu.memory_space<vmem_shared>> -> memref<25x128xf32, #tpu.memory_space<vmem_shared>>
        %dma_wait3A_164 = arith.constant 0 : i32
        %dma_wait3A_165 = tpu.memref_slice %arg23[%add3A_148, %dma_wait3A_164] : memref<10000x128xf32, #tpu.memory_space<vmem_shared>> -> memref<25x128xf32, #tpu.memory_space<vmem_shared>>
        %dma_wait3A_166 = arith.constant 0 : i32
        %dma_wait3A_167 = arith.constant 0 : i32
        %dma_wait3A_168 = tpu.memref_slice %arg17[%dma_wait3A_166, %dma_wait3A_167] : memref<48x128xf32, #tpu.memory_space<vmem>> -> memref<25x128xf32, #tpu.memory_space<vmem>>
        tpu.wait_dma2 semaphore(%run_scoped3A : memref<!tpu.dma_semaphore, #tpu.memory_space<semaphore_mem>>) src(%dma_wait3A_168 : memref<25x128xf32, #tpu.memory_space<vmem>>) dst(%dma_wait3A_165 : memref<25x128xf32, #tpu.memory_space<vmem_shared>>)
        tpu.yield
      }) : () -> ()
    }
    %scan3A_17 = arith.constant 25 : i32
    %mul3A_18 = arith.constant 640 : i32
    %mul3A_19 = arith.muli %arg1, %mul3A_18 : i32
    %scan3A_20 = arith.constant 0 : i32
    %scan3A_21 = arith.constant 5 : i32
    %scan3A_22 = arith.addi %scan3A_20, %scan3A_21 : i32
    %scan3A_23 = arith.constant 1 : i32
    scf.for %scan3A_141 = %scan3A_20 to %scan3A_22 step %scan3A_23  : i32 {
      %mul3A_142 = arith.constant 1 : i32
      %mul3A_143 = arith.muli %scan3A_141, %mul3A_142 : i32
      %add3A_144 = arith.constant 0 : i32
      %add3A_145 = arith.addi %add3A_144, %mul3A_143 : i32
      %mul3A_146 = arith.constant 128 : i32
      %mul3A_147 = arith.muli %add3A_145, %mul3A_146 : i32
      %add3A_148 = arith.addi %mul3A_19, %mul3A_147 : i32
      "tpu.region"() ({
        %run_scoped3A = tpu.sem_alloc : memref<!tpu.dma_semaphore, #tpu.memory_space<semaphore_mem>>
        %dma_start3A_149 = tpu.memref_slice %arg24[%add3A_148] : memref<10240xf32, #tpu.memory_space<vmem_shared>> -> memref<128xf32, #tpu.memory_space<vmem_shared>>
        %dma_start3A_150 = tpu.memref_slice %arg24[%add3A_148] : memref<10240xf32, #tpu.memory_space<vmem_shared>> -> memref<128xf32, #tpu.memory_space<vmem_shared>>
        tpu.enqueue_dma source(%arg22 : memref<128xf32, #tpu.memory_space<vmem>>) target(%dma_start3A_150 : memref<128xf32, #tpu.memory_space<vmem_shared>>) target_semaphore(%run_scoped3A : memref<!tpu.dma_semaphore, #tpu.memory_space<semaphore_mem>>)
        %dma_wait3A_151 = tpu.memref_slice %arg24[%add3A_148] : memref<10240xf32, #tpu.memory_space<vmem_shared>> -> memref<128xf32, #tpu.memory_space<vmem_shared>>
        %dma_wait3A_152 = tpu.memref_slice %arg24[%add3A_148] : memref<10240xf32, #tpu.memory_space<vmem_shared>> -> memref<128xf32, #tpu.memory_space<vmem_shared>>
        tpu.wait_dma2 semaphore(%run_scoped3A : memref<!tpu.dma_semaphore, #tpu.memory_space<semaphore_mem>>) src(%arg22 : memref<128xf32, #tpu.memory_space<vmem>>) dst(%dma_wait3A_152 : memref<128xf32, #tpu.memory_space<vmem_shared>>)
        tpu.yield
      }) : () -> ()
    }
    %scan3A_24 = arith.constant 5 : i32
    "tpu.region"() ({
      %run_scoped3A = tpu.sem_alloc : memref<!tpu.dma_semaphore, #tpu.memory_space<semaphore_mem>>
      %dma_start3A_141 = arith.constant 0 : i32
      %dma_start3A_142 = arith.constant 0 : i32
      %dma_start3A_143 = tpu.memref_slice %arg4[%add3A, %dma_start3A_141, %dma_start3A_142] : memref<32x210x32xi32, #tpu.memory_space<hbm>> -> memref<1x210x32xi32, #tpu.memory_space<hbm>>
      %dma_start3A_144 = tpu.memref_squeeze %dma_start3A_143 : memref<1x210x32xi32, #tpu.memory_space<hbm>> -> memref<210x32xi32, #tpu.memory_space<hbm>>
      %dma_start3A_145 = arith.constant 0 : i32
      %dma_start3A_146 = arith.constant 0 : i32
      %dma_start3A_147 = tpu.memref_slice %arg4[%add3A, %dma_start3A_145, %dma_start3A_146] : memref<32x210x32xi32, #tpu.memory_space<hbm>> -> memref<1x210x32xi32, #tpu.memory_space<hbm>>
      %dma_start3A_148 = tpu.memref_squeeze %dma_start3A_147 : memref<1x210x32xi32, #tpu.memory_space<hbm>> -> memref<210x32xi32, #tpu.memory_space<hbm>>
      tpu.enqueue_dma source(%dma_start3A_148 : memref<210x32xi32, #tpu.memory_space<hbm>>) target(%arg9 : memref<210x32xi32, #tpu.memory_space<vmem>>) target_semaphore(%run_scoped3A : memref<!tpu.dma_semaphore, #tpu.memory_space<semaphore_mem>>)
      %dma_wait3A_149 = arith.constant 0 : i32
      %dma_wait3A_150 = arith.constant 0 : i32
      %dma_wait3A_151 = tpu.memref_slice %arg4[%add3A, %dma_wait3A_149, %dma_wait3A_150] : memref<32x210x32xi32, #tpu.memory_space<hbm>> -> memref<1x210x32xi32, #tpu.memory_space<hbm>>
      %dma_wait3A_152 = tpu.memref_squeeze %dma_wait3A_151 : memref<1x210x32xi32, #tpu.memory_space<hbm>> -> memref<210x32xi32, #tpu.memory_space<hbm>>
      %dma_wait3A_153 = arith.constant 0 : i32
      %dma_wait3A_154 = arith.constant 0 : i32
      %dma_wait3A_155 = tpu.memref_slice %arg4[%add3A, %dma_wait3A_153, %dma_wait3A_154] : memref<32x210x32xi32, #tpu.memory_space<hbm>> -> memref<1x210x32xi32, #tpu.memory_space<hbm>>
      %dma_wait3A_156 = tpu.memref_squeeze %dma_wait3A_155 : memref<1x210x32xi32, #tpu.memory_space<hbm>> -> memref<210x32xi32, #tpu.memory_space<hbm>>
      tpu.wait_dma2 semaphore(%run_scoped3A : memref<!tpu.dma_semaphore, #tpu.memory_space<semaphore_mem>>) src(%dma_wait3A_156 : memref<210x32xi32, #tpu.memory_space<hbm>>) dst(%arg9 : memref<210x32xi32, #tpu.memory_space<vmem>>)
      tpu.yield
    }) : () -> ()
    "tpu.region"() ({
      %run_scoped3A = tpu.sem_alloc : memref<!tpu.dma_semaphore, #tpu.memory_space<semaphore_mem>>
      %dma_start3A_141 = arith.constant 0 : i32
      %dma_start3A_142 = arith.constant 0 : i32
      %dma_start3A_143 = tpu.memref_slice %arg5[%add3A, %dma_start3A_141, %dma_start3A_142] : memref<32x210x48xi32, #tpu.memory_space<hbm>> -> memref<1x210x48xi32, #tpu.memory_space<hbm>>
      %dma_start3A_144 = tpu.memref_squeeze %dma_start3A_143 : memref<1x210x48xi32, #tpu.memory_space<hbm>> -> memref<210x48xi32, #tpu.memory_space<hbm>>
      %dma_start3A_145 = arith.constant 0 : i32
      %dma_start3A_146 = arith.constant 0 : i32
      %dma_start3A_147 = tpu.memref_slice %arg5[%add3A, %dma_start3A_145, %dma_start3A_146] : memref<32x210x48xi32, #tpu.memory_space<hbm>> -> memref<1x210x48xi32, #tpu.memory_space<hbm>>
      %dma_start3A_148 = tpu.memref_squeeze %dma_start3A_147 : memref<1x210x48xi32, #tpu.memory_space<hbm>> -> memref<210x48xi32, #tpu.memory_space<hbm>>
      tpu.enqueue_dma source(%dma_start3A_148 : memref<210x48xi32, #tpu.memory_space<hbm>>) target(%arg10 : memref<210x48xi32, #tpu.memory_space<vmem>>) target_semaphore(%run_scoped3A : memref<!tpu.dma_semaphore, #tpu.memory_space<semaphore_mem>>)
      %dma_wait3A_149 = arith.constant 0 : i32
      %dma_wait3A_150 = arith.constant 0 : i32
      %dma_wait3A_151 = tpu.memref_slice %arg5[%add3A, %dma_wait3A_149, %dma_wait3A_150] : memref<32x210x48xi32, #tpu.memory_space<hbm>> -> memref<1x210x48xi32, #tpu.memory_space<hbm>>
      %dma_wait3A_152 = tpu.memref_squeeze %dma_wait3A_151 : memref<1x210x48xi32, #tpu.memory_space<hbm>> -> memref<210x48xi32, #tpu.memory_space<hbm>>
      %dma_wait3A_153 = arith.constant 0 : i32
      %dma_wait3A_154 = arith.constant 0 : i32
      %dma_wait3A_155 = tpu.memref_slice %arg5[%add3A, %dma_wait3A_153, %dma_wait3A_154] : memref<32x210x48xi32, #tpu.memory_space<hbm>> -> memref<1x210x48xi32, #tpu.memory_space<hbm>>
      %dma_wait3A_156 = tpu.memref_squeeze %dma_wait3A_155 : memref<1x210x48xi32, #tpu.memory_space<hbm>> -> memref<210x48xi32, #tpu.memory_space<hbm>>
      tpu.wait_dma2 semaphore(%run_scoped3A : memref<!tpu.dma_semaphore, #tpu.memory_space<semaphore_mem>>) src(%dma_wait3A_156 : memref<210x48xi32, #tpu.memory_space<hbm>>) dst(%arg10 : memref<210x48xi32, #tpu.memory_space<vmem>>)
      tpu.yield
    }) : () -> ()
    "tpu.region"() ({
      %run_scoped3A = tpu.sem_alloc : memref<!tpu.dma_semaphore, #tpu.memory_space<semaphore_mem>>
      tpu.enqueue_dma source(%arg6 : memref<128xf32, #tpu.memory_space<hbm>>) target(%arg21 : memref<128xf32, #tpu.memory_space<vmem>>) target_semaphore(%run_scoped3A : memref<!tpu.dma_semaphore, #tpu.memory_space<semaphore_mem>>)
      tpu.wait_dma2 semaphore(%run_scoped3A : memref<!tpu.dma_semaphore, #tpu.memory_space<semaphore_mem>>) src(%arg6 : memref<128xf32, #tpu.memory_space<hbm>>) dst(%arg21 : memref<128xf32, #tpu.memory_space<vmem>>)
      tpu.yield
    }) : () -> ()
    %get3A = arith.constant 0 : index
    %get3A_25 = tpu.vector_load %arg21[%get3A] {strides = array<i32>} : memref<128xf32, #tpu.memory_space<vmem>>, vector<16xf32>,
    %get3A_26 = arith.constant 16 : index
    %get3A_27 = tpu.vector_load %arg21[%get3A_26] {strides = array<i32>} : memref<128xf32, #tpu.memory_space<vmem>>, vector<16xf32>,
    %get3A_28 = arith.constant 32 : index
    %get3A_29 = tpu.vector_load %arg21[%get3A_28] {strides = array<i32>} : memref<128xf32, #tpu.memory_space<vmem>>, vector<16xf32>,
    %get3A_30 = arith.constant 48 : index
    %get3A_31 = tpu.vector_load %arg21[%get3A_30] {strides = array<i32>} : memref<128xf32, #tpu.memory_space<vmem>>, vector<16xf32>,
    %get3A_32 = arith.constant 64 : index
    %get3A_33 = tpu.vector_load %arg21[%get3A_32] {strides = array<i32>} : memref<128xf32, #tpu.memory_space<vmem>>, vector<16xf32>,
    %get3A_34 = arith.constant 80 : index
    %get3A_35 = tpu.vector_load %arg21[%get3A_34] {strides = array<i32>} : memref<128xf32, #tpu.memory_space<vmem>>, vector<16xf32>,
    %get3A_36 = arith.constant 96 : index
    %get3A_37 = tpu.vector_load %arg21[%get3A_36] {strides = array<i32>} : memref<128xf32, #tpu.memory_space<vmem>>, vector<16xf32>,
    %get3A_38 = arith.constant 112 : index
    %get3A_39 = tpu.vector_load %arg21[%get3A_38] {strides = array<i32>} : memref<128xf32, #tpu.memory_space<vmem>>, vector<16xf32>,
    %iota3A = tpu.iota {dimensions = array<i32: 0>} : vector<16xi32>
    %eq3A = arith.constant 0 : i32
    %eq3A_40 = vector.broadcast %eq3A : i32 to vector<16xi32>
    %eq3A_41 = arith.cmpi eq, %iota3A, %eq3A_40 : vector<16xi32>
    %mul3A_42 = arith.constant 10080 : i32
    %mul3A_43 = arith.muli %add3A, %mul3A_42 : i32
    %barrier3A = arith.constant 0 : index
    tpu.barrier barrier_id(%barrier3A)
    %get3A_44 = arith.constant 0 : i32
    %get3A_45 = arith.index_cast %get3A_44 : i32 to index
    %get3A_46 = arith.constant 0 : index
    %get3A_47 = tpu.vector_load %arg9[%get3A_45, %get3A_46] {strides = array<i32>} : memref<210x32xi32, #tpu.memory_space<vmem>>, vector<16xi32>,
    %and3A = arith.constant 65535 : i32
    %and3A_48 = vector.broadcast %and3A : i32 to vector<16xi32>
    %and3A_49 = arith.andi %get3A_47, %and3A_48 : vector<16xi32>
    %swap3A = arith.constant 0 : index
    %swap3A_50 = tpu.vector_load %arg11[%swap3A] {strides = array<i32>} : memref<48xi32, #tpu.memory_space<vmem>>, vector<16xi32>,
    tpu.vector_store %arg11[%swap3A], %and3A_49 {strides = array<i32>} : memref<48xi32, #tpu.memory_space<vmem>>, vector<16xi32>,
    %shift_right_logical3A = arith.constant 16 : i32
    %shift_right_logical3A_51 = vector.broadcast %shift_right_logical3A : i32 to vector<16xi32>
    %shift_right_logical3A_52 = arith.shrui %get3A_47, %shift_right_logical3A_51 : vector<16xi32>
    %swap3A_53 = arith.constant 16 : index
    %swap3A_54 = tpu.vector_load %arg11[%swap3A_53] {strides = array<i32>} : memref<48xi32, #tpu.memory_space<vmem>>, vector<16xi32>,
    tpu.vector_store %arg11[%swap3A_53], %shift_right_logical3A_52 {strides = array<i32>} : memref<48xi32, #tpu.memory_space<vmem>>, vector<16xi32>,
    %get3A_55 = arith.constant 0 : i32
    %get3A_56 = arith.index_cast %get3A_55 : i32 to index
    %get3A_57 = arith.constant 16 : index
    %get3A_58 = tpu.vector_load %arg9[%get3A_56, %get3A_57] {strides = array<i32>} : memref<210x32xi32, #tpu.memory_space<vmem>>, vector<16xi32>,
    %swap3A_59 = arith.constant 32 : index
    %swap3A_60 = tpu.vector_load %arg11[%swap3A_59] {strides = array<i32>} : memref<48xi32, #tpu.memory_space<vmem>>, vector<16xi32>,
    tpu.vector_store %arg11[%swap3A_59], %get3A_58 {strides = array<i32>} : memref<48xi32, #tpu.memory_space<vmem>>, vector<16xi32>,
    %dma_start3A = arith.constant 0 : i32
    %dma_start3A_61 = arith.constant 0 : i32
    %dma_start3A_62 = tpu.memref_slice %arg2[%dma_start3A, %dma_start3A_61] : memref<10000x256xbf16, #tpu.memory_space<hbm>> -> memref<10000x256xbf16, #tpu.memory_space<hbm>>
    tpu.enqueue_indirect_dma source(%dma_start3A_62 : memref<10000x256xbf16, #tpu.memory_space<hbm>>) target(%arg13 : memref<48x256xbf16, #tpu.memory_space<vmem>>) offsets(%arg11 : memref<48xi32, #tpu.memory_space<vmem>>) semaphore(%arg25 : memref<!tpu.dma_semaphore, #tpu.memory_space<semaphore_mem>>)
    %dma_start3A_63 = arith.constant 0 : i32
    %dma_start3A_64 = arith.constant 0 : i32
    %dma_start3A_65 = tpu.memref_slice %arg10[%dma_start3A_63, %dma_start3A_64] : memref<210x48xi32, #tpu.memory_space<vmem>> -> memref<1x48xi32, #tpu.memory_space<vmem>>
    %dma_start3A_66 = tpu.memref_squeeze %dma_start3A_65 : memref<1x48xi32, #tpu.memory_space<vmem>> -> memref<48xi32, #tpu.memory_space<vmem>>
    %dma_start3A_67 = arith.constant 0 : i32
    %dma_start3A_68 = arith.constant 0 : i32
    %dma_start3A_69 = tpu.memref_slice %arg3[%dma_start3A_67, %dma_start3A_68] : memref<10000x128xbf16, #tpu.memory_space<hbm>> -> memref<10000x128xbf16, #tpu.memory_space<hbm>>
    tpu.enqueue_indirect_dma source(%dma_start3A_69 : memref<10000x128xbf16, #tpu.memory_space<hbm>>) target(%arg15 : memref<48x128xbf16, #tpu.memory_space<vmem>>) offsets(%dma_start3A_66 : memref<48xi32, #tpu.memory_space<vmem>>) semaphore(%arg25 : memref<!tpu.dma_semaphore, #tpu.memory_space<semaphore_mem>>)
    %get3A_70 = arith.constant 1 : i32
    %get3A_71 = arith.index_cast %get3A_70 : i32 to index
    %get3A_72 = arith.constant 0 : index
    %get3A_73 = tpu.vector_load %arg9[%get3A_71, %get3A_72] {strides = array<i32>} : memref<210x32xi32, #tpu.memory_space<vmem>>, vector<16xi32>,
    %and3A_74 = arith.constant 65535 : i32
    %and3A_75 = vector.broadcast %and3A_74 : i32 to vector<16xi32>
    %and3A_76 = arith.andi %get3A_73, %and3A_75 : vector<16xi32>
    %swap3A_77 = arith.constant 0 : index
    %swap3A_78 = tpu.vector_load %arg12[%swap3A_77] {strides = array<i32>} : memref<48xi32, #tpu.memory_space<vmem>>, vector<16xi32>,
    tpu.vector_store %arg12[%swap3A_77], %and3A_76 {strides = array<i32>} : memref<48xi32, #tpu.memory_space<vmem>>, vector<16xi32>,
    %shift_right_logical3A_79 = arith.constant 16 : i32
    %shift_right_logical3A_80 = vector.broadcast %shift_right_logical3A_79 : i32 to vector<16xi32>
    %shift_right_logical3A_81 = arith.shrui %get3A_73, %shift_right_logical3A_80 : vector<16xi32>
    %swap3A_82 = arith.constant 16 : index
    %swap3A_83 = tpu.vector_load %arg12[%swap3A_82] {strides = array<i32>} : memref<48xi32, #tpu.memory_space<vmem>>, vector<16xi32>,
    tpu.vector_store %arg12[%swap3A_82], %shift_right_logical3A_81 {strides = array<i32>} : memref<48xi32, #tpu.memory_space<vmem>>, vector<16xi32>,
    %get3A_84 = arith.constant 1 : i32
    %get3A_85 = arith.index_cast %get3A_84 : i32 to index
    %get3A_86 = arith.constant 16 : index
    %get3A_87 = tpu.vector_load %arg9[%get3A_85, %get3A_86] {strides = array<i32>} : memref<210x32xi32, #tpu.memory_space<vmem>>, vector<16xi32>,
    %swap3A_88 = arith.constant 32 : index
    %swap3A_89 = tpu.vector_load %arg12[%swap3A_88] {strides = array<i32>} : memref<48xi32, #tpu.memory_space<vmem>>, vector<16xi32>,
    tpu.vector_store %arg12[%swap3A_88], %get3A_87 {strides = array<i32>} : memref<48xi32, #tpu.memory_space<vmem>>, vector<16xi32>,
    %dma_start3A_90 = arith.constant 0 : i32
    %dma_start3A_91 = arith.constant 0 : i32
    %dma_start3A_92 = tpu.memref_slice %arg2[%dma_start3A_90, %dma_start3A_91] : memref<10000x256xbf16, #tpu.memory_space<hbm>> -> memref<10000x256xbf16, #tpu.memory_space<hbm>>
    tpu.enqueue_indirect_dma source(%dma_start3A_92 : memref<10000x256xbf16, #tpu.memory_space<hbm>>) target(%arg14 : memref<48x256xbf16, #tpu.memory_space<vmem>>) offsets(%arg12 : memref<48xi32, #tpu.memory_space<vmem>>) semaphore(%arg26 : memref<!tpu.dma_semaphore, #tpu.memory_space<semaphore_mem>>)
    %dma_start3A_93 = arith.constant 1 : i32
    %dma_start3A_94 = arith.constant 0 : i32
    %dma_start3A_95 = tpu.memref_slice %arg10[%dma_start3A_93, %dma_start3A_94] : memref<210x48xi32, #tpu.memory_space<vmem>> -> memref<1x48xi32, #tpu.memory_space<vmem>>
    %dma_start3A_96 = tpu.memref_squeeze %dma_start3A_95 : memref<1x48xi32, #tpu.memory_space<vmem>> -> memref<48xi32, #tpu.memory_space<vmem>>
    %dma_start3A_97 = arith.constant 0 : i32
    %dma_start3A_98 = arith.constant 0 : i32
    %dma_start3A_99 = tpu.memref_slice %arg3[%dma_start3A_97, %dma_start3A_98] : memref<10000x128xbf16, #tpu.memory_space<hbm>> -> memref<10000x128xbf16, #tpu.memory_space<hbm>>
    tpu.enqueue_indirect_dma source(%dma_start3A_99 : memref<10000x128xbf16, #tpu.memory_space<hbm>>) target(%arg16 : memref<48x128xbf16, #tpu.memory_space<vmem>>) offsets(%dma_start3A_96 : memref<48xi32, #tpu.memory_space<vmem>>) semaphore(%arg26 : memref<!tpu.dma_semaphore, #tpu.memory_space<semaphore_mem>>)
    %scan3A_100 = arith.constant 0 : i32
    %scan3A_101 = arith.constant 105 : i32
    %scan3A_102 = arith.addi %scan3A_100, %scan3A_101 : i32
    %scan3A_103 = arith.constant 1 : i32
    scf.for %scan3A_141 = %scan3A_100 to %scan3A_102 step %scan3A_103  : i32 {
      %mul3A_142 = arith.constant 2 : i32
      %mul3A_143 = arith.muli %scan3A_141, %mul3A_142 : i32
      %add3A_144 = arith.constant 0 : i32
      %add3A_145 = arith.addi %add3A_144, %mul3A_143 : i32
      %add3A_146 = arith.constant 0 : i32
      %add3A_147 = arith.addi %add3A_145, %add3A_146 : i32
      %dma_wait3A_148 = arith.constant 0 : i32
      %dma_wait3A_149 = arith.constant 0 : i32
      %dma_wait3A_150 = tpu.memref_slice %arg2[%dma_wait3A_148, %dma_wait3A_149] : memref<10000x256xbf16, #tpu.memory_space<hbm>> -> memref<10000x256xbf16, #tpu.memory_space<hbm>>
      tpu.wait_indirect_dma semaphore(%arg25 : memref<!tpu.dma_semaphore, #tpu.memory_space<semaphore_mem>>) src(%dma_wait3A_150 : memref<10000x256xbf16, #tpu.memory_space<hbm>>) dst(%arg13 : memref<48x256xbf16, #tpu.memory_space<vmem>>)
      %dma_wait3A_151 = arith.constant 0 : i32
      %dma_wait3A_152 = tpu.memref_slice %arg10[%add3A_147, %dma_wait3A_151] : memref<210x48xi32, #tpu.memory_space<vmem>> -> memref<1x48xi32, #tpu.memory_space<vmem>>
      %dma_wait3A_153 = tpu.memref_squeeze %dma_wait3A_152 : memref<1x48xi32, #tpu.memory_space<vmem>> -> memref<48xi32, #tpu.memory_space<vmem>>
      %dma_wait3A_154 = arith.constant 0 : i32
      %dma_wait3A_155 = arith.constant 0 : i32
      %dma_wait3A_156 = tpu.memref_slice %arg3[%dma_wait3A_154, %dma_wait3A_155] : memref<10000x128xbf16, #tpu.memory_space<hbm>> -> memref<10000x128xbf16, #tpu.memory_space<hbm>>
      tpu.wait_indirect_dma semaphore(%arg25 : memref<!tpu.dma_semaphore, #tpu.memory_space<semaphore_mem>>) src(%dma_wait3A_156 : memref<10000x128xbf16, #tpu.memory_space<hbm>>) dst(%arg15 : memref<48x128xbf16, #tpu.memory_space<vmem>>)
      %ge3A = arith.constant 2 : i32
      %ge3A_157 = arith.cmpi sge, %add3A_147, %ge3A : i32
      %convert_element_type3A = arith.extui %ge3A_157 : i1 to i32
      %cond3A = arith.constant 0 : i32
      %cond3A_158 = arith.cmpi ne, %convert_element_type3A, %cond3A : i32
      scf.if %cond3A_158 {
        %sub3A = arith.constant 2 : i32
        %sub3A_216 = arith.subi %add3A_147, %sub3A : i32
        %dma_wait3A_217 = arith.constant 0 : i32
        %dma_wait3A_218 = tpu.memref_slice %arg10[%sub3A_216, %dma_wait3A_217] : memref<210x48xi32, #tpu.memory_space<vmem>> -> memref<1x48xi32, #tpu.memory_space<vmem>>
        %dma_wait3A_219 = tpu.memref_squeeze %dma_wait3A_218 : memref<1x48xi32, #tpu.memory_space<vmem>> -> memref<48xi32, #tpu.memory_space<vmem>>
        %dma_wait3A_220 = arith.constant 0 : i32
        %dma_wait3A_221 = arith.constant 0 : i32
        %dma_wait3A_222 = tpu.memref_slice %arg23[%dma_wait3A_220, %dma_wait3A_221] : memref<10000x128xf32, #tpu.memory_space<vmem_shared>> -> memref<10000x128xf32, #tpu.memory_space<vmem_shared>>
        tpu.wait_indirect_dma semaphore(%arg27 : memref<!tpu.dma_semaphore, #tpu.memory_space<semaphore_mem>>) src(%arg17 : memref<48x128xf32, #tpu.memory_space<vmem>>) dst(%dma_wait3A_222 : memref<10000x128xf32, #tpu.memory_space<vmem_shared>>)
        %dma_wait3A_223 = arith.constant 0 : i32
        %dma_wait3A_224 = tpu.memref_slice %arg10[%sub3A_216, %dma_wait3A_223] : memref<210x48xi32, #tpu.memory_space<vmem>> -> memref<1x48xi32, #tpu.memory_space<vmem>>
        %dma_wait3A_225 = tpu.memref_squeeze %dma_wait3A_224 : memref<1x48xi32, #tpu.memory_space<vmem>> -> memref<48xi32, #tpu.memory_space<vmem>>
        %dma_wait3A_226 = arith.constant 0 : i32
        %dma_wait3A_227 = tpu.memref_slice %arg24[%dma_wait3A_226] : memref<10240xf32, #tpu.memory_space<vmem_shared>> -> memref<10240xf32, #tpu.memory_space<vmem_shared>>
        tpu.wait_indirect_dma semaphore(%arg27 : memref<!tpu.dma_semaphore, #tpu.memory_space<semaphore_mem>>) src(%arg19 : memref<48xf32, #tpu.memory_space<vmem>>) dst(%dma_wait3A_227 : memref<10240xf32, #tpu.memory_space<vmem_shared>>)
      } else {
      }
      %mul3A_159 = arith.constant 48 : i32
      %mul3A_160 = arith.muli %add3A_147, %mul3A_159 : i32
      %add3A_161 = arith.addi %mul3A_43, %mul3A_160 : i32
      %dma_start3A_162 = arith.constant 0 : i32
      %dma_start3A_163 = tpu.memref_slice %arg10[%add3A_147, %dma_start3A_162] : memref<210x48xi32, #tpu.memory_space<vmem>> -> memref<1x48xi32, #tpu.memory_space<vmem>>
      %dma_start3A_164 = tpu.memref_squeeze %dma_start3A_163 : memref<1x48xi32, #tpu.memory_space<vmem>> -> memref<48xi32, #tpu.memory_space<vmem>>
      %dma_start3A_165 = arith.constant 0 : i32
      %dma_start3A_166 = arith.constant 0 : i32
      %dma_start3A_167 = tpu.memref_slice %arg23[%dma_start3A_165, %dma_start3A_166] : memref<10000x128xf32, #tpu.memory_space<vmem_shared>> -> memref<10000x128xf32, #tpu.memory_space<vmem_shared>>
      tpu.enqueue_indirect_dma source(%arg17 : memref<48x128xf32, #tpu.memory_space<vmem>>) target(%dma_start3A_167 : memref<10000x128xf32, #tpu.memory_space<vmem_shared>>) offsets(%dma_start3A_164 : memref<48xi32, #tpu.memory_space<vmem>>) semaphore(%arg27 : memref<!tpu.dma_semaphore, #tpu.memory_space<semaphore_mem>>) {add = true}
      %dma_start3A_168 = arith.constant 0 : i32
      %dma_start3A_169 = tpu.memref_slice %arg10[%add3A_147, %dma_start3A_168] : memref<210x48xi32, #tpu.memory_space<vmem>> -> memref<1x48xi32, #tpu.memory_space<vmem>>
      %dma_start3A_170 = tpu.memref_squeeze %dma_start3A_169 : memref<1x48xi32, #tpu.memory_space<vmem>> -> memref<48xi32, #tpu.memory_space<vmem>>
      %dma_start3A_171 = arith.constant 0 : i32
      %dma_start3A_172 = tpu.memref_slice %arg24[%dma_start3A_171] : memref<10240xf32, #tpu.memory_space<vmem_shared>> -> memref<10240xf32, #tpu.memory_space<vmem_shared>>
      tpu.enqueue_indirect_dma source(%arg19 : memref<48xf32, #tpu.memory_space<vmem>>) target(%dma_start3A_172 : memref<10240xf32, #tpu.memory_space<vmem_shared>>) offsets(%dma_start3A_170 : memref<48xi32, #tpu.memory_space<vmem>>) semaphore(%arg27 : memref<!tpu.dma_semaphore, #tpu.memory_space<semaphore_mem>>) {add = true}
      %add3A_173 = arith.constant 2 : i32
      %add3A_174 = arith.addi %add3A_147, %add3A_173 : i32
      %lt3A = arith.constant 210 : i32
      %lt3A_175 = arith.cmpi slt, %add3A_174, %lt3A : i32
      %convert_element_type3A_176 = arith.extui %lt3A_175 : i1 to i32
      %cond3A_177 = arith.constant 0 : i32
      %cond3A_178 = arith.cmpi ne, %convert_element_type3A_176, %cond3A_177 : i32
      scf.if %cond3A_178 {
        %add3A_216 = arith.constant 2 : i32
        %add3A_217 = arith.addi %add3A_147, %add3A_216 : i32
        %get3A_218 = arith.index_cast %add3A_217 : i32 to index
        %get3A_219 = arith.constant 0 : index
        %get3A_220 = tpu.vector_load %arg9[%get3A_218, %get3A_219] {strides = array<i32>} : memref<210x32xi32, #tpu.memory_space<vmem>>, vector<16xi32>,
        %and3A_221 = arith.constant 65535 : i32
        %and3A_222 = vector.broadcast %and3A_221 : i32 to vector<16xi32>
        %and3A_223 = arith.andi %get3A_220, %and3A_222 : vector<16xi32>
        %swap3A_224 = arith.constant 0 : index
        %swap3A_225 = tpu.vector_load %arg11[%swap3A_224] {strides = array<i32>} : memref<48xi32, #tpu.memory_space<vmem>>, vector<16xi32>,
        tpu.vector_store %arg11[%swap3A_224], %and3A_223 {strides = array<i32>} : memref<48xi32, #tpu.memory_space<vmem>>, vector<16xi32>,
        %shift_right_logical3A_226 = arith.constant 16 : i32
        %shift_right_logical3A_227 = vector.broadcast %shift_right_logical3A_226 : i32 to vector<16xi32>
        %shift_right_logical3A_228 = arith.shrui %get3A_220, %shift_right_logical3A_227 : vector<16xi32>
        %swap3A_229 = arith.constant 16 : index
        %swap3A_230 = tpu.vector_load %arg11[%swap3A_229] {strides = array<i32>} : memref<48xi32, #tpu.memory_space<vmem>>, vector<16xi32>,
        tpu.vector_store %arg11[%swap3A_229], %shift_right_logical3A_228 {strides = array<i32>} : memref<48xi32, #tpu.memory_space<vmem>>, vector<16xi32>,
        %get3A_231 = arith.index_cast %add3A_217 : i32 to index
        %get3A_232 = arith.constant 16 : index
        %get3A_233 = tpu.vector_load %arg9[%get3A_231, %get3A_232] {strides = array<i32>} : memref<210x32xi32, #tpu.memory_space<vmem>>, vector<16xi32>,
        %swap3A_234 = arith.constant 32 : index
        %swap3A_235 = tpu.vector_load %arg11[%swap3A_234] {strides = array<i32>} : memref<48xi32, #tpu.memory_space<vmem>>, vector<16xi32>,
        tpu.vector_store %arg11[%swap3A_234], %get3A_233 {strides = array<i32>} : memref<48xi32, #tpu.memory_space<vmem>>, vector<16xi32>,
        %add3A_236 = arith.constant 2 : i32
        %add3A_237 = arith.addi %add3A_147, %add3A_236 : i32
        %dma_start3A_238 = arith.constant 0 : i32
        %dma_start3A_239 = arith.constant 0 : i32
        %dma_start3A_240 = tpu.memref_slice %arg2[%dma_start3A_238, %dma_start3A_239] : memref<10000x256xbf16, #tpu.memory_space<hbm>> -> memref<10000x256xbf16, #tpu.memory_space<hbm>>
        tpu.enqueue_indirect_dma source(%dma_start3A_240 : memref<10000x256xbf16, #tpu.memory_space<hbm>>) target(%arg13 : memref<48x256xbf16, #tpu.memory_space<vmem>>) offsets(%arg11 : memref<48xi32, #tpu.memory_space<vmem>>) semaphore(%arg25 : memref<!tpu.dma_semaphore, #tpu.memory_space<semaphore_mem>>)
        %dma_start3A_241 = arith.constant 0 : i32
        %dma_start3A_242 = tpu.memref_slice %arg10[%add3A_237, %dma_start3A_241] : memref<210x48xi32, #tpu.memory_space<vmem>> -> memref<1x48xi32, #tpu.memory_space<vmem>>
        %dma_start3A_243 = tpu.memref_squeeze %dma_start3A_242 : memref<1x48xi32, #tpu.memory_space<vmem>> -> memref<48xi32, #tpu.memory_space<vmem>>
        %dma_start3A_244 = arith.constant 0 : i32
        %dma_start3A_245 = arith.constant 0 : i32
        %dma_start3A_246 = tpu.memref_slice %arg3[%dma_start3A_244, %dma_start3A_245] : memref<10000x128xbf16, #tpu.memory_space<hbm>> -> memref<10000x128xbf16, #tpu.memory_space<hbm>>
        tpu.enqueue_indirect_dma source(%dma_start3A_246 : memref<10000x128xbf16, #tpu.memory_space<hbm>>) target(%arg15 : memref<48x128xbf16, #tpu.memory_space<vmem>>) offsets(%dma_start3A_243 : memref<48xi32, #tpu.memory_space<vmem>>) semaphore(%arg25 : memref<!tpu.dma_semaphore, #tpu.memory_space<semaphore_mem>>)
      } else {
      }
      %add3A_179 = arith.constant 1 : i32
      %add3A_180 = arith.addi %add3A_145, %add3A_179 : i32
      %dma_wait3A_181 = arith.constant 0 : i32
      %dma_wait3A_182 = arith.constant 0 : i32
      %dma_wait3A_183 = tpu.memref_slice %arg2[%dma_wait3A_181, %dma_wait3A_182] : memref<10000x256xbf16, #tpu.memory_space<hbm>> -> memref<10000x256xbf16, #tpu.memory_space<hbm>>
      tpu.wait_indirect_dma semaphore(%arg26 : memref<!tpu.dma_semaphore, #tpu.memory_space<semaphore_mem>>) src(%dma_wait3A_183 : memref<10000x256xbf16, #tpu.memory_space<hbm>>) dst(%arg14 : memref<48x256xbf16, #tpu.memory_space<vmem>>)
      %dma_wait3A_184 = arith.constant 0 : i32
      %dma_wait3A_185 = tpu.memref_slice %arg10[%add3A_180, %dma_wait3A_184] : memref<210x48xi32, #tpu.memory_space<vmem>> -> memref<1x48xi32, #tpu.memory_space<vmem>>
      %dma_wait3A_186 = tpu.memref_squeeze %dma_wait3A_185 : memref<1x48xi32, #tpu.memory_space<vmem>> -> memref<48xi32, #tpu.memory_space<vmem>>
      %dma_wait3A_187 = arith.constant 0 : i32
      %dma_wait3A_188 = arith.constant 0 : i32
      %dma_wait3A_189 = tpu.memref_slice %arg3[%dma_wait3A_187, %dma_wait3A_188] : memref<10000x128xbf16, #tpu.memory_space<hbm>> -> memref<10000x128xbf16, #tpu.memory_space<hbm>>
      tpu.wait_indirect_dma semaphore(%arg26 : memref<!tpu.dma_semaphore, #tpu.memory_space<semaphore_mem>>) src(%dma_wait3A_189 : memref<10000x128xbf16, #tpu.memory_space<hbm>>) dst(%arg16 : memref<48x128xbf16, #tpu.memory_space<vmem>>)
      %ge3A_190 = arith.constant 2 : i32
      %ge3A_191 = arith.cmpi sge, %add3A_180, %ge3A_190 : i32
      %convert_element_type3A_192 = arith.extui %ge3A_191 : i1 to i32
      %cond3A_193 = arith.constant 0 : i32
      %cond3A_194 = arith.cmpi ne, %convert_element_type3A_192, %cond3A_193 : i32
      scf.if %cond3A_194 {
        %sub3A = arith.constant 2 : i32
        %sub3A_216 = arith.subi %add3A_180, %sub3A : i32
        %dma_wait3A_217 = arith.constant 0 : i32
        %dma_wait3A_218 = tpu.memref_slice %arg10[%sub3A_216, %dma_wait3A_217] : memref<210x48xi32, #tpu.memory_space<vmem>> -> memref<1x48xi32, #tpu.memory_space<vmem>>
        %dma_wait3A_219 = tpu.memref_squeeze %dma_wait3A_218 : memref<1x48xi32, #tpu.memory_space<vmem>> -> memref<48xi32, #tpu.memory_space<vmem>>
        %dma_wait3A_220 = arith.constant 0 : i32
        %dma_wait3A_221 = arith.constant 0 : i32
        %dma_wait3A_222 = tpu.memref_slice %arg23[%dma_wait3A_220, %dma_wait3A_221] : memref<10000x128xf32, #tpu.memory_space<vmem_shared>> -> memref<10000x128xf32, #tpu.memory_space<vmem_shared>>
        tpu.wait_indirect_dma semaphore(%arg28 : memref<!tpu.dma_semaphore, #tpu.memory_space<semaphore_mem>>) src(%arg18 : memref<48x128xf32, #tpu.memory_space<vmem>>) dst(%dma_wait3A_222 : memref<10000x128xf32, #tpu.memory_space<vmem_shared>>)
        %dma_wait3A_223 = arith.constant 0 : i32
        %dma_wait3A_224 = tpu.memref_slice %arg10[%sub3A_216, %dma_wait3A_223] : memref<210x48xi32, #tpu.memory_space<vmem>> -> memref<1x48xi32, #tpu.memory_space<vmem>>
        %dma_wait3A_225 = tpu.memref_squeeze %dma_wait3A_224 : memref<1x48xi32, #tpu.memory_space<vmem>> -> memref<48xi32, #tpu.memory_space<vmem>>
        %dma_wait3A_226 = arith.constant 0 : i32
        %dma_wait3A_227 = tpu.memref_slice %arg24[%dma_wait3A_226] : memref<10240xf32, #tpu.memory_space<vmem_shared>> -> memref<10240xf32, #tpu.memory_space<vmem_shared>>
        tpu.wait_indirect_dma semaphore(%arg28 : memref<!tpu.dma_semaphore, #tpu.memory_space<semaphore_mem>>) src(%arg20 : memref<48xf32, #tpu.memory_space<vmem>>) dst(%dma_wait3A_227 : memref<10240xf32, #tpu.memory_space<vmem_shared>>)
      } else {
      }
      %mul3A_195 = arith.constant 48 : i32
      %mul3A_196 = arith.muli %add3A_180, %mul3A_195 : i32
      %add3A_197 = arith.addi %mul3A_43, %mul3A_196 : i32
      %dma_start3A_198 = arith.constant 0 : i32
      %dma_start3A_199 = tpu.memref_slice %arg10[%add3A_180, %dma_start3A_198] : memref<210x48xi32, #tpu.memory_space<vmem>> -> memref<1x48xi32, #tpu.memory_space<vmem>>
      %dma_start3A_200 = tpu.memref_squeeze %dma_start3A_199 : memref<1x48xi32, #tpu.memory_space<vmem>> -> memref<48xi32, #tpu.memory_space<vmem>>
      %dma_start3A_201 = arith.constant 0 : i32
      %dma_start3A_202 = arith.constant 0 : i32
      %dma_start3A_203 = tpu.memref_slice %arg23[%dma_start3A_201, %dma_start3A_202] : memref<10000x128xf32, #tpu.memory_space<vmem_shared>> -> memref<10000x128xf32, #tpu.memory_space<vmem_shared>>
      tpu.enqueue_indirect_dma source(%arg18 : memref<48x128xf32, #tpu.memory_space<vmem>>) target(%dma_start3A_203 : memref<10000x128xf32, #tpu.memory_space<vmem_shared>>) offsets(%dma_start3A_200 : memref<48xi32, #tpu.memory_space<vmem>>) semaphore(%arg28 : memref<!tpu.dma_semaphore, #tpu.memory_space<semaphore_mem>>) {add = true}
      %dma_start3A_204 = arith.constant 0 : i32
      %dma_start3A_205 = tpu.memref_slice %arg10[%add3A_180, %dma_start3A_204] : memref<210x48xi32, #tpu.memory_space<vmem>> -> memref<1x48xi32, #tpu.memory_space<vmem>>
      %dma_start3A_206 = tpu.memref_squeeze %dma_start3A_205 : memref<1x48xi32, #tpu.memory_space<vmem>> -> memref<48xi32, #tpu.memory_space<vmem>>
      %dma_start3A_207 = arith.constant 0 : i32
      %dma_start3A_208 = tpu.memref_slice %arg24[%dma_start3A_207] : memref<10240xf32, #tpu.memory_space<vmem_shared>> -> memref<10240xf32, #tpu.memory_space<vmem_shared>>
      tpu.enqueue_indirect_dma source(%arg20 : memref<48xf32, #tpu.memory_space<vmem>>) target(%dma_start3A_208 : memref<10240xf32, #tpu.memory_space<vmem_shared>>) offsets(%dma_start3A_206 : memref<48xi32, #tpu.memory_space<vmem>>) semaphore(%arg28 : memref<!tpu.dma_semaphore, #tpu.memory_space<semaphore_mem>>) {add = true}
      %add3A_209 = arith.constant 2 : i32
      %add3A_210 = arith.addi %add3A_180, %add3A_209 : i32
      %lt3A_211 = arith.constant 210 : i32
      %lt3A_212 = arith.cmpi slt, %add3A_210, %lt3A_211 : i32
      %convert_element_type3A_213 = arith.extui %lt3A_212 : i1 to i32
      %cond3A_214 = arith.constant 0 : i32
      %cond3A_215 = arith.cmpi ne, %convert_element_type3A_213, %cond3A_214 : i32
      scf.if %cond3A_215 {
        %add3A_216 = arith.constant 2 : i32
        %add3A_217 = arith.addi %add3A_180, %add3A_216 : i32
        %get3A_218 = arith.index_cast %add3A_217 : i32 to index
        %get3A_219 = arith.constant 0 : index
        %get3A_220 = tpu.vector_load %arg9[%get3A_218, %get3A_219] {strides = array<i32>} : memref<210x32xi32, #tpu.memory_space<vmem>>, vector<16xi32>,
        %and3A_221 = arith.constant 65535 : i32
        %and3A_222 = vector.broadcast %and3A_221 : i32 to vector<16xi32>
        %and3A_223 = arith.andi %get3A_220, %and3A_222 : vector<16xi32>
        %swap3A_224 = arith.constant 0 : index
        %swap3A_225 = tpu.vector_load %arg12[%swap3A_224] {strides = array<i32>} : memref<48xi32, #tpu.memory_space<vmem>>, vector<16xi32>,
        tpu.vector_store %arg12[%swap3A_224], %and3A_223 {strides = array<i32>} : memref<48xi32, #tpu.memory_space<vmem>>, vector<16xi32>,
        %shift_right_logical3A_226 = arith.constant 16 : i32
        %shift_right_logical3A_227 = vector.broadcast %shift_right_logical3A_226 : i32 to vector<16xi32>
        %shift_right_logical3A_228 = arith.shrui %get3A_220, %shift_right_logical3A_227 : vector<16xi32>
        %swap3A_229 = arith.constant 16 : index
        %swap3A_230 = tpu.vector_load %arg12[%swap3A_229] {strides = array<i32>} : memref<48xi32, #tpu.memory_space<vmem>>, vector<16xi32>,
        tpu.vector_store %arg12[%swap3A_229], %shift_right_logical3A_228 {strides = array<i32>} : memref<48xi32, #tpu.memory_space<vmem>>, vector<16xi32>,
        %get3A_231 = arith.index_cast %add3A_217 : i32 to index
        %get3A_232 = arith.constant 16 : index
        %get3A_233 = tpu.vector_load %arg9[%get3A_231, %get3A_232] {strides = array<i32>} : memref<210x32xi32, #tpu.memory_space<vmem>>, vector<16xi32>,
        %swap3A_234 = arith.constant 32 : index
        %swap3A_235 = tpu.vector_load %arg12[%swap3A_234] {strides = array<i32>} : memref<48xi32, #tpu.memory_space<vmem>>, vector<16xi32>,
        tpu.vector_store %arg12[%swap3A_234], %get3A_233 {strides = array<i32>} : memref<48xi32, #tpu.memory_space<vmem>>, vector<16xi32>,
        %add3A_236 = arith.constant 2 : i32
        %add3A_237 = arith.addi %add3A_180, %add3A_236 : i32
        %dma_start3A_238 = arith.constant 0 : i32
        %dma_start3A_239 = arith.constant 0 : i32
        %dma_start3A_240 = tpu.memref_slice %arg2[%dma_start3A_238, %dma_start3A_239] : memref<10000x256xbf16, #tpu.memory_space<hbm>> -> memref<10000x256xbf16, #tpu.memory_space<hbm>>
        tpu.enqueue_indirect_dma source(%dma_start3A_240 : memref<10000x256xbf16, #tpu.memory_space<hbm>>) target(%arg14 : memref<48x256xbf16, #tpu.memory_space<vmem>>) offsets(%arg12 : memref<48xi32, #tpu.memory_space<vmem>>) semaphore(%arg26 : memref<!tpu.dma_semaphore, #tpu.memory_space<semaphore_mem>>)
        %dma_start3A_241 = arith.constant 0 : i32
        %dma_start3A_242 = tpu.memref_slice %arg10[%add3A_237, %dma_start3A_241] : memref<210x48xi32, #tpu.memory_space<vmem>> -> memref<1x48xi32, #tpu.memory_space<vmem>>
        %dma_start3A_243 = tpu.memref_squeeze %dma_start3A_242 : memref<1x48xi32, #tpu.memory_space<vmem>> -> memref<48xi32, #tpu.memory_space<vmem>>
        %dma_start3A_244 = arith.constant 0 : i32
        %dma_start3A_245 = arith.constant 0 : i32
        %dma_start3A_246 = tpu.memref_slice %arg3[%dma_start3A_244, %dma_start3A_245] : memref<10000x128xbf16, #tpu.memory_space<hbm>> -> memref<10000x128xbf16, #tpu.memory_space<hbm>>
        tpu.enqueue_indirect_dma source(%dma_start3A_246 : memref<10000x128xbf16, #tpu.memory_space<hbm>>) target(%arg16 : memref<48x128xbf16, #tpu.memory_space<vmem>>) offsets(%dma_start3A_243 : memref<48xi32, #tpu.memory_space<vmem>>) semaphore(%arg26 : memref<!tpu.dma_semaphore, #tpu.memory_space<semaphore_mem>>)
      } else {
      }
    }
    %scan3A_104 = arith.constant 105 : i32
    %dma_wait3A = arith.constant 208 : i32
    %dma_wait3A_105 = arith.constant 0 : i32
    %dma_wait3A_106 = tpu.memref_slice %arg10[%dma_wait3A, %dma_wait3A_105] : memref<210x48xi32, #tpu.memory_space<vmem>> -> memref<1x48xi32, #tpu.memory_space<vmem>>
    %dma_wait3A_107 = tpu.memref_squeeze %dma_wait3A_106 : memref<1x48xi32, #tpu.memory_space<vmem>> -> memref<48xi32, #tpu.memory_space<vmem>>
    %dma_wait3A_108 = arith.constant 0 : i32
    %dma_wait3A_109 = arith.constant 0 : i32
    %dma_wait3A_110 = tpu.memref_slice %arg23[%dma_wait3A_108, %dma_wait3A_109] : memref<10000x128xf32, #tpu.memory_space<vmem_shared>> -> memref<10000x128xf32, #tpu.memory_space<vmem_shared>>
    tpu.wait_indirect_dma semaphore(%arg27 : memref<!tpu.dma_semaphore, #tpu.memory_space<semaphore_mem>>) src(%arg17 : memref<48x128xf32, #tpu.memory_space<vmem>>) dst(%dma_wait3A_110 : memref<10000x128xf32, #tpu.memory_space<vmem_shared>>)
    %dma_wait3A_111 = arith.constant 208 : i32
    %dma_wait3A_112 = arith.constant 0 : i32
    %dma_wait3A_113 = tpu.memref_slice %arg10[%dma_wait3A_111, %dma_wait3A_112] : memref<210x48xi32, #tpu.memory_space<vmem>> -> memref<1x48xi32, #tpu.memory_space<vmem>>
    %dma_wait3A_114 = tpu.memref_squeeze %dma_wait3A_113 : memref<1x48xi32, #tpu.memory_space<vmem>> -> memref<48xi32, #tpu.memory_space<vmem>>
    %dma_wait3A_115 = arith.constant 0 : i32
    %dma_wait3A_116 = tpu.memref_slice %arg24[%dma_wait3A_115] : memref<10240xf32, #tpu.memory_space<vmem_shared>> -> memref<10240xf32, #tpu.memory_space<vmem_shared>>
    tpu.wait_indirect_dma semaphore(%arg27 : memref<!tpu.dma_semaphore, #tpu.memory_space<semaphore_mem>>) src(%arg19 : memref<48xf32, #tpu.memory_space<vmem>>) dst(%dma_wait3A_116 : memref<10240xf32, #tpu.memory_space<vmem_shared>>)
    %dma_wait3A_117 = arith.constant 209 : i32
    %dma_wait3A_118 = arith.constant 0 : i32
    %dma_wait3A_119 = tpu.memref_slice %arg10[%dma_wait3A_117, %dma_wait3A_118] : memref<210x48xi32, #tpu.memory_space<vmem>> -> memref<1x48xi32, #tpu.memory_space<vmem>>
    %dma_wait3A_120 = tpu.memref_squeeze %dma_wait3A_119 : memref<1x48xi32, #tpu.memory_space<vmem>> -> memref<48xi32, #tpu.memory_space<vmem>>
    %dma_wait3A_121 = arith.constant 0 : i32
    %dma_wait3A_122 = arith.constant 0 : i32
    %dma_wait3A_123 = tpu.memref_slice %arg23[%dma_wait3A_121, %dma_wait3A_122] : memref<10000x128xf32, #tpu.memory_space<vmem_shared>> -> memref<10000x128xf32, #tpu.memory_space<vmem_shared>>
    tpu.wait_indirect_dma semaphore(%arg28 : memref<!tpu.dma_semaphore, #tpu.memory_space<semaphore_mem>>) src(%arg18 : memref<48x128xf32, #tpu.memory_space<vmem>>) dst(%dma_wait3A_123 : memref<10000x128xf32, #tpu.memory_space<vmem_shared>>)
    %dma_wait3A_124 = arith.constant 209 : i32
    %dma_wait3A_125 = arith.constant 0 : i32
    %dma_wait3A_126 = tpu.memref_slice %arg10[%dma_wait3A_124, %dma_wait3A_125] : memref<210x48xi32, #tpu.memory_space<vmem>> -> memref<1x48xi32, #tpu.memory_space<vmem>>
    %dma_wait3A_127 = tpu.memref_squeeze %dma_wait3A_126 : memref<1x48xi32, #tpu.memory_space<vmem>> -> memref<48xi32, #tpu.memory_space<vmem>>
    %dma_wait3A_128 = arith.constant 0 : i32
    %dma_wait3A_129 = tpu.memref_slice %arg24[%dma_wait3A_128] : memref<10240xf32, #tpu.memory_space<vmem_shared>> -> memref<10240xf32, #tpu.memory_space<vmem_shared>>
    tpu.wait_indirect_dma semaphore(%arg28 : memref<!tpu.dma_semaphore, #tpu.memory_space<semaphore_mem>>) src(%arg20 : memref<48xf32, #tpu.memory_space<vmem>>) dst(%dma_wait3A_129 : memref<10240xf32, #tpu.memory_space<vmem_shared>>)
    %barrier3A_130 = arith.constant 0 : index
    tpu.barrier barrier_id(%barrier3A_130)
    %scan3A_131 = arith.constant 0 : i32
    %scan3A_132 = arith.constant 5 : i32
    %scan3A_133 = arith.addi %scan3A_131, %scan3A_132 : i32
    %scan3A_134 = arith.constant 1 : i32
    scf.for %scan3A_141 = %scan3A_131 to %scan3A_133 step %scan3A_134  : i32 {
      %mul3A_142 = arith.constant 1 : i32
      %mul3A_143 = arith.muli %scan3A_141, %mul3A_142 : i32
      %add3A_144 = arith.constant 0 : i32
      %add3A_145 = arith.addi %add3A_144, %mul3A_143 : i32
      %mul3A_146 = arith.constant 125 : i32
      %mul3A_147 = arith.muli %add3A_145, %mul3A_146 : i32
      %add3A_148 = arith.addi %mul3A_12, %mul3A_147 : i32
      "tpu.region"() ({
        %run_scoped3A = tpu.sem_alloc : memref<!tpu.dma_semaphore, #tpu.memory_space<semaphore_mem>>
        %dma_start3A_149 = arith.constant 0 : i32
        %dma_start3A_150 = tpu.memref_slice %arg7[%arg0, %add3A_148, %dma_start3A_149] : memref<2x10000x128xf32, #tpu.memory_space<hbm>> -> memref<1x125x128xf32, #tpu.memory_space<hbm>>
        %dma_start3A_151 = tpu.memref_squeeze %dma_start3A_150 : memref<1x125x128xf32, #tpu.memory_space<hbm>> -> memref<125x128xf32, #tpu.memory_space<hbm>>
        %dma_start3A_152 = arith.constant 0 : i32
        %dma_start3A_153 = tpu.memref_slice %arg23[%add3A_148, %dma_start3A_152] : memref<10000x128xf32, #tpu.memory_space<vmem_shared>> -> memref<125x128xf32, #tpu.memory_space<vmem_shared>>
        tpu.enqueue_dma source(%dma_start3A_153 : memref<125x128xf32, #tpu.memory_space<vmem_shared>>) target(%dma_start3A_151 : memref<125x128xf32, #tpu.memory_space<hbm>>) target_semaphore(%run_scoped3A : memref<!tpu.dma_semaphore, #tpu.memory_space<semaphore_mem>>)
        %dma_wait3A_154 = arith.constant 0 : i32
        %dma_wait3A_155 = tpu.memref_slice %arg7[%arg0, %add3A_148, %dma_wait3A_154] : memref<2x10000x128xf32, #tpu.memory_space<hbm>> -> memref<1x125x128xf32, #tpu.memory_space<hbm>>
        %dma_wait3A_156 = tpu.memref_squeeze %dma_wait3A_155 : memref<1x125x128xf32, #tpu.memory_space<hbm>> -> memref<125x128xf32, #tpu.memory_space<hbm>>
        %dma_wait3A_157 = arith.constant 0 : i32
        %dma_wait3A_158 = tpu.memref_slice %arg23[%add3A_148, %dma_wait3A_157] : memref<10000x128xf32, #tpu.memory_space<vmem_shared>> -> memref<125x128xf32, #tpu.memory_space<vmem_shared>>
        tpu.wait_dma2 semaphore(%run_scoped3A : memref<!tpu.dma_semaphore, #tpu.memory_space<semaphore_mem>>) src(%dma_wait3A_158 : memref<125x128xf32, #tpu.memory_space<vmem_shared>>) dst(%dma_wait3A_156 : memref<125x128xf32, #tpu.memory_space<hbm>>)
        tpu.yield
      }) : () -> ()
    }
    %scan3A_135 = arith.constant 5 : i32
    %scan3A_136 = arith.constant 0 : i32
    %scan3A_137 = arith.constant 5 : i32
    %scan3A_138 = arith.addi %scan3A_136, %scan3A_137 : i32
    %scan3A_139 = arith.constant 1 : i32
    scf.for %scan3A_141 = %scan3A_136 to %scan3A_138 step %scan3A_139  : i32 {
      %mul3A_142 = arith.constant 1 : i32
      %mul3A_143 = arith.muli %scan3A_141, %mul3A_142 : i32
      %add3A_144 = arith.constant 0 : i32
      %add3A_145 = arith.addi %add3A_144, %mul3A_143 : i32
      %mul3A_146 = arith.constant 128 : i32
      %mul3A_147 = arith.muli %add3A_145, %mul3A_146 : i32
      %add3A_148 = arith.addi %mul3A_19, %mul3A_147 : i32
      "tpu.region"() ({
        %run_scoped3A = tpu.sem_alloc : memref<!tpu.dma_semaphore, #tpu.memory_space<semaphore_mem>>
        %dma_start3A_149 = tpu.memref_slice %arg8[%arg0, %add3A_148] : memref<2x10240xf32, #tpu.memory_space<hbm>> -> memref<1x128xf32, #tpu.memory_space<hbm>>
        %dma_start3A_150 = tpu.memref_squeeze %dma_start3A_149 : memref<1x128xf32, #tpu.memory_space<hbm>> -> memref<128xf32, #tpu.memory_space<hbm>>
        %dma_start3A_151 = tpu.memref_slice %arg24[%add3A_148] : memref<10240xf32, #tpu.memory_space<vmem_shared>> -> memref<128xf32, #tpu.memory_space<vmem_shared>>
        tpu.enqueue_dma source(%dma_start3A_151 : memref<128xf32, #tpu.memory_space<vmem_shared>>) target(%dma_start3A_150 : memref<128xf32, #tpu.memory_space<hbm>>) target_semaphore(%run_scoped3A : memref<!tpu.dma_semaphore, #tpu.memory_space<semaphore_mem>>)
        %dma_wait3A_152 = tpu.memref_slice %arg8[%arg0, %add3A_148] : memref<2x10240xf32, #tpu.memory_space<hbm>> -> memref<1x128xf32, #tpu.memory_space<hbm>>
        %dma_wait3A_153 = tpu.memref_squeeze %dma_wait3A_152 : memref<1x128xf32, #tpu.memory_space<hbm>> -> memref<128xf32, #tpu.memory_space<hbm>>
        %dma_wait3A_154 = tpu.memref_slice %arg24[%add3A_148] : memref<10240xf32, #tpu.memory_space<vmem_shared>> -> memref<128xf32, #tpu.memory_space<vmem_shared>>
        tpu.wait_dma2 semaphore(%run_scoped3A : memref<!tpu.dma_semaphore, #tpu.memory_space<semaphore_mem>>) src(%dma_wait3A_154 : memref<128xf32, #tpu.memory_space<vmem_shared>>) dst(%dma_wait3A_153 : memref<128xf32, #tpu.memory_space<hbm>>)
        tpu.yield
      }) : () -> ()
    }
    %scan3A_140 = arith.constant 5 : i32
    return
  }
}

module attributes {stable_mosaic.version = 14 : i64} {
  func.func @_prep_body(%arg0: memref<10000x128xf32, #tpu.memory_space<vmem>>, %arg1: memref<1x128xf32, #tpu.memory_space<vmem>>, %arg2: memref<1x128xf32, #tpu.memory_space<vmem>>, %arg3: memref<128x128xf32, #tpu.memory_space<vmem>>, %arg4: memref<1x128xf32, #tpu.memory_space<vmem>>, %arg5: memref<128x128xf32, #tpu.memory_space<vmem>>, %arg6: memref<128x128xf32, #tpu.memory_space<vmem>>, %arg7: memref<10000x256xf32, #tpu.memory_space<vmem>>, %arg8: memref<10000x128xf32, #tpu.memory_space<vmem>>) attributes {dimension_semantics = [], scalar_prefetch = 0 : i64, scratch_operands = 0 : i64, tpu.core_type = #tpu.core_type<tc>} {
    %get3A = arith.constant 0 : index
    %get3A_0 = arith.constant 0 : index
    %get3A_1 = vector.load %arg0[%get3A, %get3A_0] : memref<10000x128xf32, #tpu.memory_space<vmem>>, vector<10000x128xf32>
    %reduce_sum3A = arith.constant dense<0.000000e+00> : vector<128xf32>
    %reduce_sum3A_2 = vector.multi_reduction <add>, %get3A_1, %reduce_sum3A [0] : vector<10000x128xf32> to vector<128xf32>
    %broadcast_in_dim3A = vector.shape_cast %reduce_sum3A_2 : vector<128xf32> to vector<1x128xf32>
    %mul3A = arith.constant 9.99999974E-5 : f32
    %mul3A_3 = vector.broadcast %mul3A : f32 to vector<1x128xf32>
    %mul3A_4 = arith.mulf %broadcast_in_dim3A, %mul3A_3 : vector<1x128xf32>
    %sub3A = vector.broadcast %mul3A_4 : vector<1x128xf32> to vector<10000x128xf32>
    %sub3A_5 = arith.subf %get3A_1, %sub3A : vector<10000x128xf32>
    %mul3A_6 = arith.mulf %sub3A_5, %sub3A_5 : vector<10000x128xf32>
    %reduce_sum3A_7 = arith.constant dense<0.000000e+00> : vector<128xf32>
    %reduce_sum3A_8 = vector.multi_reduction <add>, %mul3A_6, %reduce_sum3A_7 [0] : vector<10000x128xf32> to vector<128xf32>
    %broadcast_in_dim3A_9 = vector.shape_cast %reduce_sum3A_8 : vector<128xf32> to vector<1x128xf32>
    %mul3A_10 = arith.constant 9.99999974E-5 : f32
    %mul3A_11 = vector.broadcast %mul3A_10 : f32 to vector<1x128xf32>
    %mul3A_12 = arith.mulf %broadcast_in_dim3A_9, %mul3A_11 : vector<1x128xf32>
    %add3A = arith.constant 9.99999974E-6 : f32
    %add3A_13 = vector.broadcast %add3A : f32 to vector<1x128xf32>
    %add3A_14 = arith.addf %mul3A_12, %add3A_13 : vector<1x128xf32>
    %rsqrt3A = math.rsqrt %add3A_14 : vector<1x128xf32>
    %mul3A_15 = vector.broadcast %rsqrt3A : vector<1x128xf32> to vector<10000x128xf32>
    %mul3A_16 = arith.mulf %sub3A_5, %mul3A_15 : vector<10000x128xf32>
    %get3A_17 = arith.constant 0 : index
    %get3A_18 = arith.constant 0 : index
    %get3A_19 = vector.load %arg1[%get3A_17, %get3A_18] : memref<1x128xf32, #tpu.memory_space<vmem>>, vector<1x128xf32>
    %mul3A_20 = vector.broadcast %get3A_19 : vector<1x128xf32> to vector<10000x128xf32>
    %mul3A_21 = arith.mulf %mul3A_16, %mul3A_20 : vector<10000x128xf32>
    %get3A_22 = arith.constant 0 : index
    %get3A_23 = arith.constant 0 : index
    %get3A_24 = vector.load %arg2[%get3A_22, %get3A_23] : memref<1x128xf32, #tpu.memory_space<vmem>>, vector<1x128xf32>
    %add3A_25 = vector.broadcast %get3A_24 : vector<1x128xf32> to vector<10000x128xf32>
    %add3A_26 = arith.addf %mul3A_21, %add3A_25 : vector<10000x128xf32>
    %get3A_27 = arith.constant 0 : index
    %get3A_28 = arith.constant 0 : index
    %get3A_29 = vector.load %arg3[%get3A_27, %get3A_28] : memref<128x128xf32, #tpu.memory_space<vmem>>, vector<128x128xf32>
    %dot_general3A = arith.constant dense<0.000000e+00> : vector<10000x128xf32>
    %dot_general3A_30 = tpu.matmul %add3A_26, %get3A_29, %dot_general3A {dimension_numbers = #tpu.dot_dimension_numbers<[1], [0], [0], [1], [0, 0, 1, 1], [], []>, transpose_lhs_hint = false} : vector<10000x128xf32>, vector<128x128xf32>, vector<10000x128xf32> -> vector<10000x128xf32>
    %get3A_31 = arith.constant 0 : index
    %get3A_32 = arith.constant 0 : index
    %get3A_33 = vector.load %arg4[%get3A_31, %get3A_32] : memref<1x128xf32, #tpu.memory_space<vmem>>, vector<1x128xf32>
    %add3A_34 = vector.broadcast %get3A_33 : vector<1x128xf32> to vector<10000x128xf32>
    %add3A_35 = arith.addf %dot_general3A_30, %add3A_34 : vector<10000x128xf32>
    %neg3A = arith.constant 0.000000e+00 : f32
    %neg3A_36 = vector.broadcast %neg3A : f32 to vector<10000x128xf32>
    %neg3A_37 = arith.subf %neg3A_36, %add3A_35 : vector<10000x128xf32>
    %swap3A = arith.constant 0 : index
    %swap3A_38 = arith.constant 0 : index
    %swap3A_39 = vector.load %arg7[%swap3A, %swap3A_38] : memref<10000x256xf32, #tpu.memory_space<vmem>>, vector<10000x128xf32>
    tpu.vector_store %arg7[%swap3A, %swap3A_38], %neg3A_37 {strides = array<i32>} : memref<10000x256xf32, #tpu.memory_space<vmem>>, vector<10000x128xf32>,
    %get3A_40 = arith.constant 0 : index
    %get3A_41 = arith.constant 0 : index
    %get3A_42 = vector.load %arg6[%get3A_40, %get3A_41] : memref<128x128xf32, #tpu.memory_space<vmem>>, vector<128x128xf32>
    %dot_general3A_43 = arith.constant dense<0.000000e+00> : vector<10000x128xf32>
    %dot_general3A_44 = tpu.matmul %add3A_26, %get3A_42, %dot_general3A_43 {dimension_numbers = #tpu.dot_dimension_numbers<[1], [0], [0], [1], [0, 0, 1, 1], [], []>, transpose_lhs_hint = false} : vector<10000x128xf32>, vector<128x128xf32>, vector<10000x128xf32> -> vector<10000x128xf32>
    %swap3A_45 = arith.constant 0 : index
    %swap3A_46 = arith.constant 128 : index
    %swap3A_47 = vector.load %arg7[%swap3A_45, %swap3A_46] : memref<10000x256xf32, #tpu.memory_space<vmem>>, vector<10000x128xf32>
    tpu.vector_store %arg7[%swap3A_45, %swap3A_46], %dot_general3A_44 {strides = array<i32>} : memref<10000x256xf32, #tpu.memory_space<vmem>>, vector<10000x128xf32>,
    %get3A_48 = arith.constant 0 : index
    %get3A_49 = arith.constant 0 : index
    %get3A_50 = vector.load %arg5[%get3A_48, %get3A_49] : memref<128x128xf32, #tpu.memory_space<vmem>>, vector<128x128xf32>
    %dot_general3A_51 = arith.constant dense<0.000000e+00> : vector<10000x128xf32>
    %dot_general3A_52 = tpu.matmul %add3A_26, %get3A_50, %dot_general3A_51 {dimension_numbers = #tpu.dot_dimension_numbers<[1], [0], [0], [1], [0, 0, 1, 1], [], []>, transpose_lhs_hint = false} : vector<10000x128xf32>, vector<128x128xf32>, vector<10000x128xf32> -> vector<10000x128xf32>
    %neg3A_53 = arith.constant 0.000000e+00 : f32
    %neg3A_54 = vector.broadcast %neg3A_53 : f32 to vector<10000x128xf32>
    %neg3A_55 = arith.subf %neg3A_54, %dot_general3A_52 : vector<10000x128xf32>
    %swap3A_56 = arith.constant 0 : index
    %swap3A_57 = arith.constant 0 : index
    %swap3A_58 = vector.load %arg8[%swap3A_56, %swap3A_57] : memref<10000x128xf32, #tpu.memory_space<vmem>>, vector<10000x128xf32>
    tpu.vector_store %arg8[%swap3A_56, %swap3A_57], %neg3A_55 {strides = array<i32>} : memref<10000x128xf32, #tpu.memory_space<vmem>>, vector<10000x128xf32>,
    return
  }
}

module attributes {stable_mosaic.version = 14 : i64} {
  func.func @_fin_body(%arg0: memref<2x10000x128xf32, #tpu.memory_space<vmem>>, %arg1: memref<2x10240xf32, #tpu.memory_space<vmem>>, %arg2: memref<10000x128xf32, #tpu.memory_space<vmem>>) attributes {dimension_semantics = [], scalar_prefetch = 0 : i64, scratch_operands = 0 : i64, tpu.core_type = #tpu.core_type<tc>} {
    %get3A = arith.constant 0 : index
    %get3A_0 = arith.constant 0 : index
    %get3A_1 = arith.constant 0 : index
    %get3A_2 = vector.load %arg0[%get3A, %get3A_0, %get3A_1] : memref<2x10000x128xf32, #tpu.memory_space<vmem>>, vector<1x10000x128xf32>
    %get3A_3 = vector.shape_cast %get3A_2 : vector<1x10000x128xf32> to vector<10000x128xf32>
    %get3A_4 = arith.constant 1 : index
    %get3A_5 = arith.constant 0 : index
    %get3A_6 = arith.constant 0 : index
    %get3A_7 = vector.load %arg0[%get3A_4, %get3A_5, %get3A_6] : memref<2x10000x128xf32, #tpu.memory_space<vmem>>, vector<1x10000x128xf32>
    %get3A_8 = vector.shape_cast %get3A_7 : vector<1x10000x128xf32> to vector<10000x128xf32>
    %add3A = arith.addf %get3A_3, %get3A_8 : vector<10000x128xf32>
    %get3A_9 = arith.constant 0 : index
    %get3A_10 = arith.constant 0 : index
    %get3A_11 = vector.load %arg1[%get3A_9, %get3A_10] : memref<2x10240xf32, #tpu.memory_space<vmem>>, vector<1x10000xf32>
    %get3A_12 = vector.shape_cast %get3A_11 : vector<1x10000xf32> to vector<10000xf32>
    %get3A_13 = arith.constant 1 : index
    %get3A_14 = arith.constant 0 : index
    %get3A_15 = vector.load %arg1[%get3A_13, %get3A_14] : memref<2x10240xf32, #tpu.memory_space<vmem>>, vector<1x10000xf32>
    %get3A_16 = vector.shape_cast %get3A_15 : vector<1x10000xf32> to vector<10000xf32>
    %add3A_17 = arith.addf %get3A_12, %get3A_16 : vector<10000xf32>
    %broadcast_in_dim3A = vector.shape_cast %add3A_17 : vector<10000xf32> to vector<10000x1xf32>
    %ne3A = arith.constant 0.000000e+00 : f32
    %ne3A_18 = vector.broadcast %ne3A : f32 to vector<10000x1xf32>
    %ne3A_19 = arith.cmpf one, %broadcast_in_dim3A, %ne3A_18 : vector<10000x1xf32>
    %div3A = vector.broadcast %broadcast_in_dim3A : vector<10000x1xf32> to vector<10000x128xf32>
    %div3A_20 = arith.divf %add3A, %div3A : vector<10000x128xf32>
    %jit3A = arith.constant 0.000000e+00 : f32
    %broadcast_in_dim3A_21 = vector.shape_cast %ne3A_19 : vector<10000x1xi1> to vector<10000x1xi1>
    %broadcast_in_dim3A_22 = vector.broadcast %broadcast_in_dim3A_21 : vector<10000x1xi1> to vector<10000x128xi1>
    %broadcast_in_dim3A_23 = vector.broadcast %jit3A : f32 to vector<10000x128xf32>
    %select_n3A = arith.select %broadcast_in_dim3A_22, %div3A_20, %broadcast_in_dim3A_23 : vector<10000x128xi1>, vector<10000x128xf32>
    %swap3A = arith.constant 0 : index
    %swap3A_24 = arith.constant 0 : index
    %swap3A_25 = vector.load %arg2[%swap3A, %swap3A_24] : memref<10000x128xf32, #tpu.memory_space<vmem>>, vector<10000x128xf32>
    tpu.vector_store %arg2[%swap3A, %swap3A_24], %select_n3A {strides = array<i32>} : memref<10000x128xf32, #tpu.memory_space<vmem>>, vector<10000x128xf32>,
    return
  }
}

</mosaic_0001>

<sc_bundles>
// kernel: kernel.5.cloned.1.call-start
scs
__scs_entry_jumppad:
0x0: {  	(pc) =	sbr.rel $0x88, $3  }
0x1: {  	(tag) =	ssettag $0x0;
	lr =	simm.s32 $0x1  }
0x2: {  	[smem:$0x3F98] =	sst lr;
	_ =	strace $0xD0000000  }
0x3: {  	_ = 	snop  }
0x4: {  	_ = 	snop  }
0x5: {  	_ = 	snop  }
0x6: {  	_ = 	snop  }
0x7: {  	_ = 	snop  }
__scs_overlays_trampoline_lowered:
0x8: {  	[smem:$0x3FA7] =	sst s0  }
0x9: {  	[smem:$0x3FA8] =	sst s1  }
0xa: {  	[smem:$0x3FA9] =	sst s2  }
0xb: {  	[smem:$0x3FAA] =	sst s3  }
0xc: {  	[smem:$0x3FAB] =	sst s4  }
0xd: {  	[smem:$0x3FAC] =	sst s5  }
0xe: {  	[smem:$0x3FAD] =	sst s6  }
0xf: {  	[smem:$0x3FAE] =	sst s7  }
0x10: {  	[smem:$0x3FAF] =	sst s8  }
0x11: {  	[smem:$0x3FB0] =	sst s9;
	s0 =	simm.s32 @!p0 $0x0  }
0x12: {  	s1 =	sld [smem:$0x3F96];
	s0 =	simm.s32 @p0 $0x1  }
0x13: {  	[smem:$0x3FB1] =	sst s0;
	s0 =	simm.s32 @!p1 $0x0  }
0x14: {  	s2 =	sld [smem:$0x3F95];
	s0 =	simm.s32 @p1 $0x1  }
0x15: {  	[smem:$0x3FB2] =	sst s0;
	s0 =	simm.s32 @!p2 $0x0  }
0x16: {  	s3 =	sld [smem:$0x3FDB];
	s0 =	simm.s32 @p2 $0x1  }
0x17: {  	s4 =	simm.s32 $0x1BF5;
	[smem:$0x3FB4] =	sst s0  }
0x18: {  	s0 =	sld [smem:$0x3F97];
	_ =	swait.ge [sflag:s4], $0x0  }
0x19: {  	s7 =	sld [smem:$0x3F98]  }
0x1a: {  	s8 =	sadd.s32 $0xFFFFE003, lr  }
0x1b: {  	s9 =	sadd.s32 $0xFFFFFEF7, lr;
	s5 =	simm.s32 $0xFFFFFFFF;
	p2 =	slt.u32 s8, $0xFFFFF086  }
0x1c: {  	p1 =	slt.u32 s9, $0xF7A;
	s5 =	simm.s32 @!p2 $0x0  }
0x1d: {  	s5 =	simm.s32 @p1 $0x1;
	p0 =	seq.s32 s7, s2  }
0x1e: {  	s7 =	smul.u32 @!p0 $0xF7A, s2;
	p2 =	seq.s32 @!p0 s5, $0x0  }
0x1f: {  	s9 =	smul.u32 $0xF7A, s1;
	s8 =	simm.s32 @!p0 $0x1BF5;
	p2 =	por !p2, p0  }
0x20: {  	[sflag:s8] =	ssyncset.s32 @!p0 $0xFFFFF086;
	s6 =	sadd.s32 @!p0 s3, s7;
	s7 =	simm.s32 @!p0 $0x108  }
0x21: {  	s3 =	sadd.s32 s3, s9;
	s6 =	sadd.s32 @!p0 $0x88, s6;
	s7 =	simm.s32 @p2 $0x1082  }
0x22: {  	[simem:s7], [sflag:s8] =	dma.local @!p0 [hbm:s6], $0xF7A  }
0x23: {  	s9 =	sor.u32 $0xD0000000, s2;
	s6 =	simm.s32 $0x108;
	_ =	swait.ge @!p0 [sflag:s8], $0x0  }
0x24: {  	s3 =	sadd.s32 $0x88, s3;
	s6 =	simm.s32 @!p1 $0x1082;
	[sflag:s4] =	ssyncset.s32 $0xFFFFF086  }
0x25: {  	[simem:s6], [sflag:s4] =	dma.local [hbm:s3], $0xF7A  }
0x26: {  	[smem:$0x3F98] =	sst s1;
	(tag) =	ssettag s2;
	_ =	strace s9  }
0x27: {  	s1 =	sld [smem:$0x3FA8]  }
0x28: {  	s2 =	sld [smem:$0x3FA9]  }
0x29: {  	s4 =	sld [smem:$0x3FAB]  }
0x2a: {  	p0 =	seq.s32 s5, $0x0;
	s5 =	sld [smem:$0x3FAC]  }
0x2b: {  	s6 =	sld [smem:$0x3FAD]  }
0x2c: {  	s7 =	sld [smem:$0x3FAE]  }
0x2d: {  	s3 =	simm.s32 $0x108;
	s8 =	sld [smem:$0x3FAF]  }
0x2e: {  	s3 =	simm.s32 @!p0 $0x1082;
	s9 =	sld [smem:$0x3FB0]  }
0x2f: {  	lr =	sadd.s32 s0, s3;
	s0 =	sld [smem:$0x3FA7]  }
0x30: {  	s3 =	sld [smem:$0x3FAA]  }
0x31: {  	[smem:$0x3FB3] =	sst s10  }
0x32: {  	s10 =	sld [smem:$0x3FB1];
	_ =	sdelay $0x3  }
0x33: {  	p0 =	seq.s32 s10, $0x1;
	s10 =	sld [smem:$0x3FB3];
	_ =	sdelay $0x3  }
0x34: {  	[smem:$0x3FB3] =	sst s10  }
0x35: {  	s10 =	sld [smem:$0x3FB2];
	_ =	sdelay $0x3  }
0x36: {  	p1 =	seq.s32 s10, $0x1;
	s10 =	sld [smem:$0x3FB3];
	_ =	sdelay $0x3  }
0x37: {  	[smem:$0x3FB3] =	sst s10  }
0x38: {  	s10 =	sld [smem:$0x3FB4]  }
0x39: {  	_ = 	snop;
	(pc) =	sbr.ind lr, $3  }
0x3a: {  	_ = 	snop  }
0x3b: {  	_ = 	snop  }
0x3c: {  	p2 =	seq.s32 s10, $0x1;
	s10 =	sld [smem:$0x3FB3]  }
0x3d: {  	_ =	shalt  }
0x3e: {  	_ =	shalt  }
0x3f: {  	_ =	shalt  }
0x40: {  	_ =	shalt  }
0x41: {  	_ =	shalt  }
0x42: {  	_ =	shalt  }
0x43: {  	_ =	shalt  }
0x44: {  	_ =	shalt  }
0x45: {  	_ =	shalt  }
0x46: {  	_ =	shalt  }
0x47: {  	_ =	shalt  }
0x48: {  	_ =	shalt  }
0x49: {  	_ =	shalt  }
0x4a: {  	_ =	shalt  }
0x4b: {  	_ =	shalt  }
0x4c: {  	_ =	shalt  }
0x4d: {  	_ =	shalt  }
0x4e: {  	_ =	shalt  }
0x4f: {  	_ =	shalt  }
0x50: {  	_ =	shalt  }
0x51: {  	_ =	shalt  }
0x52: {  	_ =	shalt  }
0x53: {  	_ =	shalt  }
0x54: {  	_ =	shalt  }
0x55: {  	_ =	shalt  }
0x56: {  	_ =	shalt  }
0x57: {  	_ =	shalt  }
0x58: {  	_ =	shalt  }
0x59: {  	_ =	shalt  }
0x5a: {  	_ =	shalt  }
0x5b: {  	_ =	shalt  }
0x5c: {  	_ =	shalt  }
0x5d: {  	_ =	shalt  }
0x5e: {  	_ =	shalt  }
0x5f: {  	_ =	shalt  }
0x60: {  	_ =	shalt  }
0x61: {  	_ =	shalt  }
0x62: {  	_ =	shalt  }
0x63: {  	_ =	shalt  }
0x64: {  	_ =	shalt  }
0x65: {  	_ =	shalt  }
0x66: {  	_ =	shalt  }
0x67: {  	_ =	shalt  }
0x68: {  	_ =	shalt  }
0x69: {  	_ =	shalt  }
0x6a: {  	_ =	shalt  }
0x6b: {  	_ =	shalt  }
0x6c: {  	_ =	shalt  }
0x6d: {  	_ =	shalt  }
0x6e: {  	_ =	shalt  }
0x6f: {  	_ =	shalt  }
0x70: {  	_ =	shalt  }
0x71: {  	_ =	shalt  }
0x72: {  	_ =	shalt  }
0x73: {  	_ =	shalt  }
0x74: {  	_ =	shalt  }
0x75: {  	_ =	shalt  }
0x76: {  	_ =	shalt  }
0x77: {  	_ =	shalt  }
0x78: {  	_ =	shalt  }
0x79: {  	_ =	shalt  }
0x7a: {  	_ =	shalt  }
0x7b: {  	_ =	shalt  }
0x7c: {  	_ =	shalt  }
0x7d: {  	_ =	shalt  }
0x7e: {  	_ =	shalt  }
0x7f: {  	_ =	shalt  }
0x80: {  	_ =	shalt  }
0x81: {  	_ =	shalt  }
0x82: {  	_ =	shalt  }
0x83: {  	_ =	shalt  }
0x84: {  	_ =	shalt  }
0x85: {  	_ =	shalt  }
0x86: {  	_ =	shalt  }
0x87: {  	_ =	shalt  }
.Lfunc_end0:
.L_simem_size_0:
called_computation_lowered:
.L_overlay_start_0:
0x88: {  	s2 =	sld [smem:$0x3FD9]  }
0x89: {  	s3 =	sld [smem:$0x3FFE];
	_ =	sdelay $0x1  }
0x8a: {  	s1 =	srdreg.scid  }
0x8b: {  	s0 =	sand.u32 $0x1, s1  }
0x8c: {  	s17 =	sshll.u32 s0, $0xA;
	s2 =	sadd.s32 s3, s2  }
0x8d: {  	s2 =	sadd.s32 s2, s17  }
0x8e: {  	[smem:$0x3FBF] =	sst s2  }
0x8f: {  	_ = 	snop  }
0x90: {  	s2 =	sld [smem:$0x3FC1]  }
0x91: {  	s18 =	sld [smem:$0x3FD0];
	(tm) =	ssettm $0x1  }
0x92: {  	s4 =	sld [smem:$0x3FFB];
	_ =	sdelay $0x3  }
0x93: {  	_ =	strace s4  }
0x94: {  	s4 =	sld [smem:$0x3FFC];
	_ =	sdelay $0x3  }
0x95: {  	_ =	strace s4  }
0x96: {  	s4 =	sld [smem:$0x3FFD];
	_ =	sdelay $0x3  }
0x97: {  	_ =	strace s4  }
0x98: {  	_ =	strace $0x8FFFFFFF  }
0x99: {  	s19 =	sld [smem:$0x3FDB];
	_ =	sdelay $0x1  }
0x9a: {  	s5 =	simm.s32 $_scs_section_size  }
0x9b: {  	s6 =	simm.s32 $_size__tile_overlayer_lowered;
	s7 =	simm.s32 $_tile_overlayer_lowered  }
0x9c: {  	s22 =	simm.s32 $0x1BFF;
	s21 =	sshll.u32 s7, $0x1;
	s4 =	sadd.s32 s5, s19  }
0x9d: {  	s8 =	simm.s32 $0x0;
	s20 =	sshll.u32 s6, $0x1;
	s6 =	sadd.s32 s21, s4  }
0x9e: {  	[timem:s8], [sflag:s22] =	dma.local [hbm:s6], s20  }
0x9f: {  	_ =	swait.ge [sflag:s22], s20  }
0xa0: {  	s5 =	ssub.s32 $0x0, s20;
	[sflag:s22] =	ssyncset.done $0x0  }
0xa1: {  	[sflag:s22] =	ssyncadd.s32 s5;
	_ =	sdelay $0x1  }
0xa2: {  	s23 =	simm.s32 $0x1B8B  }
0xa3: {  	_ =	swait.ge [sflag:s23], $0x1  }
0xa4: {  	[sflag:s23] =	ssyncset.done $0x0  }
0xa5: {  	s25 =	simm.s32 $0x1B8E;
	s24 =	sld [smem:$0x3FFE];
	[sflag:s23] =	ssyncadd.s32 $0xFFFFFFFF  }
0xa6: {  	s26 =	simm.s32 $execute0_lowered;
	[smem:$0x3FD2] =	sst s25  }
0xa7: {  	s6 =	sshll.u32 s26, $0x1;
	_ =	strace $0x80000046;
	[dreg:$0x1] =	wrdreg $0xFFFFFFFF  }
0xa8: {  	s28 =	simm.s32 $_size_execute0_lowered;
	s4 =	sadd.s32 s4, s6;
	[dreg:$0x0] =	wrdreg $0x0  }
0xa9: {  	s6 =	sshll.u32 s28, $0x1;
	[dreg:$0x2] =	wrdreg s4  }
0xaa: {  	[dreg:$0x3] =	wrdreg s6  }
0xab: {  	[dreg:$0x4] =	wrdreg $0xC0  }
0xac: {  	_ =	task [dreg:s8], $0x5FFFF  }
0xad: {  	[dreg:$0x1] =	wrdreg $0xFFFFFFFF  }
0xae: {  	[dreg:$0x0] =	wrdreg $0x60  }
0xaf: {  	[dreg:$0x2] =	wrdreg s18  }
0xb0: {  	[dreg:$0x3] =	wrdreg s24  }
0xb1: {  	[dreg:$0x4] =	wrdreg s2  }
0xb2: {  	[dreg:$0x5] =	wrdreg $0xBB600  }
0xb3: {  	[dreg:$0x6] =	wrdreg $0x1F3E00  }
0xb4: {  	[dreg:$0x7] =	wrdreg $0x9  }
0xb5: {  	_ =	task.clear_ibuf [dreg:s8], $0x8FFFF;
	_ =	strace $0x90000046  }
0xb6: {  	s29 =	simm.s32 $0x9;
	_ =	strace $0x80000048  }
0xb7: {  	_ =	swait.ge [sflag:s29], $0x1  }
0xb8: {  	[sflag:s29] =	ssyncadd.s32 $0xFFFFFFFF  }
0xb9: {  	_ =	strace $0x90000048  }
0xba: {  	_ =	sfence  }
0xbb: {  	s30 =	sld [smem:$0x0];
	_ =	sdelay $0x2  }
0xbc: {  	s31 =	sshll.u32 s1, $0xD;
	s1 =	sshrl.u32 s1, $0x2  }
0xbd: {  	s3 =	sand.u32 $0x4000, s31;
	s1 =	sadd.s32 s1, s30  }
0xbe: {  	s0 =	sor.u32 s3, s0;
	s1 =	sshll.u32 s1, $0x11  }
0xbf: {  	s0 =	sor.u32 s1, s0  }
0xc0: {  	s0 =	sadd.s32 $0x8F2B, s0  }
0xc1: {  	[sflag:s0] =	ssyncadd.remote.s32 $0x1  }
0xc2: {  	_ =	sfence.sel $0xFFFF  }
0xc3: {  	[dreg:$0x0] =	wrdreg $0xFFFFFFFF;
	(pc) =	sbr.abs _section_cstart, $3  }
0xc4: {  	[dreg:$0x1] =	wrdreg $0xFFFFFFFF  }
0xc5: {  	_ =	task.clear_ibuf [dreg:s8], $0x2FFFF;
	_ =	strace $0x9FFFFFFF  }
0xc6: {  	(tm) =	ssettm $0x7FFFFFFF  }
0xc7: {  	_ =	shalt  }
tec
execute0_lowered:
.L_overlay_start_1:
0x0: {  	(tag) =	ssettag $0x1  }
0x1: {  	s0 =	srdreg.scid  }
0x2: {  	s22 =	stileid.u32;
	s5 =	rddreg [dreg:$0x1];
	s3 =	simm.s32 $0x0  }
0x3: {  	s28 =	simm.s32 $0xA200;
	s0 =	sand.u32 $0x1, s0;
	s8 =	smul.u32 $0x13880, s22  }
0x4: {  	[smem:$0x7FF] =	sst s3;
	s7 =	sadd.s32 $0x26000, s5;
	s11 =	smul.u32 $0x280, s22  }
0x5: {  	s9 =	sadd.s32 $0x25600, s5;
	s1 =	sshll.u32 s0, $0x4;
	s6 =	smul.u32 $0x138800, s0  }
0x6: {  	s10 =	ssub.s32 $0x2, s0;
	s0 =	smul.u32 $0x2800, s0;
	s2 =	sor.u32 s22, s1  }
0x7: {  	s1 =	rddreg [dreg:$0x0];
	s12 =	sshrl.u32 s10, $0x1;
	s15 =	sadd.s32 $0x7D00, s8  }
0x8: {  	s16 =	sadd.s32 $0xBB80, s8;
	s19 =	sadd.s32 $0xFA00, s8;
	s4 =	smul.u32 $0x348, s2  }
0x9: {  	s20 =	sadd.s32 $0x80, s11;
	s21 =	sadd.s32 $0x100, s11;
	s2 =	smul.u32 $0x4EC, s2  }
0xa: {  	s13 =	sadd.s32 s6, s8;
	s10 =	ssub.s32 s10, s12;
	s14 =	sadd.s32 s0, s11  }
0xb: {  	s26 =	sadd.s32 s6, s15;
	s17 =	sadd.s32 s6, s16;
	s18 =	sadd.s32 s0, s20  }
0xc: {  	s23 =	sadd.s32 s0, s21;
	s24 =	sshrl.u32 s13, $0x3;
	s13 =	sadd.s32 $0x3E80, s8  }
0xd: {  	s17 =	sshrl.u32 s17, $0x3;
	s10 =	smax.u32 s10, $0x1;
	s12 =	sadd.s32 s7, s24  }
0xe: {  	s25 =	sadd.s32 s6, s13;
	s17 =	sadd.s32 s7, s17;
	s6 =	sadd.s32 s6, s19  }
0xf: {  	s24 =	sshrl.u32 s14, $0x3;
	s14 =	rddreg [dreg:$0x4];
	s4 =	sadd.s32 s4, s5  }
0x10: {  	s2 =	sadd.s32 s2, s5;
	[dreg:$0x6] =	wrdreg s12;
	s12 =	sshrl.u32 s25, $0x3  }
0x11: {  	[dreg:$0x9] =	wrdreg s17;
	s6 =	sshrl.u32 s6, $0x3;
	s12 =	sadd.s32 s7, s12  }
0x12: {  	s6 =	sadd.s32 s7, s6;
	[dreg:$0x7] =	wrdreg s12;
	s12 =	sshrl.u32 s26, $0x3  }
0x13: {  	[dreg:$0xa] =	wrdreg s6;
	s6 =	sshrl.u32 s18, $0x3;
	s18 =	sadd.s32 s11, s14  }
0x14: {  	s12 =	sadd.s32 s7, s12;
	s7 =	sshrl.u32 s23, $0x3;
	s6 =	sadd.s32 s9, s6  }
0x15: {  	s23 =	smul.u32 $0x4E200, s22;
	[dreg:$0x8] =	wrdreg s12;
	s12 =	sadd.s32 s9, s24  }
0x16: {  	[dreg:$0xc] =	wrdreg s6;
	s25 =	sadd.s32 s9, s7;
	s6 =	sadd.s32 $0x180, s11  }
0x17: {  	s7 =	sadd.s32 $0x200, s11;
	[dreg:$0xb] =	wrdreg s12;
	s26 =	sadd.s32 s0, s6  }
0x18: {  	[dreg:$0xd] =	wrdreg s25;
	s0 =	sadd.s32 s0, s7;
	s17 =	sshrl.u32 s26, $0x3  }
0x19: {  	s12 =	rddreg [dreg:$0x3];
	s0 =	sshrl.u32 s0, $0x3;
	s17 =	sadd.s32 s9, s17  }
0x1a: {  	s11 =	sadd.s32 s8, s12;
	s0 =	sadd.s32 s9, s0;
	[dreg:$0xe] =	wrdreg s17  }
0x1b: {  	s13 =	sadd.s32 s13, s12;
	[dreg:$0xf] =	wrdreg s0;
	s0 =	sadd.s32 $0x14E00, s4  }
0x1c: {  	s9 =	sadd.s32 $0x1B800, s2;
	_ =	strace $0x80000047;
	[dreg:$0x10] =	wrdreg s0  }
0x1d: {  	s15 =	sadd.s32 s15, s12;
	s16 =	sadd.s32 s16, s12;
	[dreg:$0x11] =	wrdreg s9  }
0x1e: {  	s8 =	sshrl.u32 s23, $0x2;
	s2 =	sshrl.u32 s13, $0x3;
	[dreg:$0x12] =	wrdreg s10  }
0x1f: {  	s22 =	sadd.s32 s8, s12;
	s8 =	sshrl.u32 s15, $0x3;
	[dreg:$0x14] =	wrdreg s2  }
0x20: {  	s24 =	sadd.s32 s19, s12;
	s13 =	sshrl.u32 s16, $0x3;
	[dreg:$0x15] =	wrdreg s8  }
0x21: {  	s25 =	sadd.s32 s20, s14;
	s15 =	sshrl.u32 s24, $0x3;
	[dreg:$0x16] =	wrdreg s13  }
0x22: {  	s26 =	sadd.s32 s21, s14;
	s16 =	sshrl.u32 s25, $0x3;
	[dreg:$0x17] =	wrdreg s15  }
0x23: {  	s6 =	sadd.s32 s6, s14;
	s19 =	sshrl.u32 s26, $0x3;
	[dreg:$0x18] =	wrdreg s16  }
0x24: {  	s7 =	sadd.s32 s7, s14;
	s20 =	sshrl.u32 s6, $0x3;
	[dreg:$0x19] =	wrdreg s19  }
0x25: {  	s29 =	simm.s32 $0xBA30;
	s21 =	sshrl.u32 s7, $0x3;
	[dreg:$0x1a] =	wrdreg s20  }
0x26: {  	s30 =	simm.s32 $0x3;
	s23 =	sadd.s32 $0x80, s18;
	[dreg:$0x1b] =	wrdreg s21  }
0x27: {  	s31 =	simm.s32 $0x4;
	s24 =	sadd.s32 $0x100, s18;
	[dreg:$0x1c] =	wrdreg s23  }
0x28: {  	s6 =	simm.s32 $0x8A00;
	s25 =	sadd.s32 $0x180, s18;
	[dreg:$0x1d] =	wrdreg s24  }
0x29: {  	s7 =	simm.s32 $0x5;
	s26 =	sadd.s32 $0x200, s18;
	[dreg:$0x1e] =	wrdreg s25  }
0x2a: {  	s17 =	sadd.s32 $0x1400, s5;
	s0 =	sshrl.u32 s11, $0x3;
	[dreg:$0x1f] =	wrdreg s26  }
.Ltmp0:
0x2b: {  	s8 =	simm.s32 $0xBAE0;
	s9 =	simm.s32 $0x1A40;
	(pc) =	sbr.rel .LBB2_1-.Ltmp0, $4  }
0x2c: {  	s10 =	simm.s32 $0x30;
	s15 =	simm.s32 $0x4200;
	s16 =	simm.s32 $0x7200  }
0x2d: {  	s19 =	simm.s32 $0x41D0;
	s20 =	simm.s32 $0x5A00;
	s21 =	simm.s32 $0x1A70  }
0x2e: {  	s23 =	simm.s32 $0x7E00;
	s24 =	simm.s32 $0x1;
	s25 =	simm.s32 $0xBA00  }
0x2f: {  	v0 =	vimm.f32 $0.0e+00;
	s26 =	simm.s32 $0x2;
	s13 =	simm.s32 $0x0;
	[dreg:$0x13] =	wrdreg s0  }
.LBB2_8:
0x30: {  	_ =	swait.ge [sflag:s30], $0x1800  }
0x31: {  	[sflag:s30] =	ssyncset.done $0x0  }
0x32: {  	[sflag:s30] =	ssyncadd.s32 $0xFFFFE800  }
0x33: {  	_ =	swait.ge [sflag:s30], $0x30  }
0x34: {  	[sflag:s30] =	ssyncset.done $0x0  }
0x35: {  	[sflag:s30] =	ssyncadd.s32 $0xFFFFFFD0  }
0x36: {  	_ =	swait.ge [sflag:s31], $0x1800  }
0x37: {  	[sflag:s31] =	ssyncset.done $0x0  }
0x38: {  	[sflag:s31] =	ssyncadd.s32 $0xFFFFE800  }
0x39: {  	_ =	swait.ge [sflag:s31], $0x30  }
0x3a: {  	[sflag:s31] =	ssyncset.done $0x0  }
0x3b: {  	[sflag:s31] =	ssyncadd.s32 $0xFFFFFFD0  }
0x3c: {  	s0 =	stileid.u32;
	[bflag:$0x0] =	sbarrier.arrive $0xFFFF  }
0x3d: {  	s0 =	sshll.u32 s0, $0x6;
	s2 =	rddreg [dreg:$0x6]  }
0x3e: {  	s0 =	sor.u32 $0x1C05, s0;
	s4 =	rddreg [dreg:$0x13]  }
0x3f: {  	[hbm:s2], [sflag:s0] =	dma.local [spmem:s4], $0x7D0  }
0x40: {  	_ =	swait.ge [sflag:s7], $0x7D0  }
0x41: {  	[sflag:s7] =	ssyncset.done $0x0;
	s5 =	rddreg [dreg:$0x7]  }
0x42: {  	s11 =	rddreg [dreg:$0x14];
	[sflag:s7] =	ssyncadd.s32 $0xFFFFF830  }
0x43: {  	[hbm:s5], [sflag:s0] =	dma.local [spmem:s11], $0x7D0  }
0x44: {  	_ =	swait.ge [sflag:s7], $0x7D0  }
0x45: {  	[sflag:s7] =	ssyncset.done $0x0;
	s5 =	rddreg [dreg:$0x8]  }
0x46: {  	s11 =	rddreg [dreg:$0x15];
	[sflag:s7] =	ssyncadd.s32 $0xFFFFF830  }
0x47: {  	[hbm:s5], [sflag:s0] =	dma.local [spmem:s11], $0x7D0  }
0x48: {  	_ =	swait.ge [sflag:s7], $0x7D0  }
0x49: {  	[sflag:s7] =	ssyncset.done $0x0;
	s5 =	rddreg [dreg:$0x9]  }
0x4a: {  	s11 =	rddreg [dreg:$0x16];
	[sflag:s7] =	ssyncadd.s32 $0xFFFFF830  }
0x4b: {  	[hbm:s5], [sflag:s0] =	dma.local [spmem:s11], $0x7D0  }
0x4c: {  	_ =	swait.ge [sflag:s7], $0x7D0  }
0x4d: {  	[sflag:s7] =	ssyncset.done $0x0;
	s5 =	rddreg [dreg:$0xa]  }
0x4e: {  	s11 =	rddreg [dreg:$0x17];
	[sflag:s7] =	ssyncadd.s32 $0xFFFFF830  }
0x4f: {  	[hbm:s5], [sflag:s0] =	dma.local [spmem:s11], $0x7D0  }
0x50: {  	_ =	swait.ge [sflag:s7], $0x7D0  }
0x51: {  	[sflag:s7] =	ssyncset.done $0x0  }
0x52: {  	s5 =	sshrl.u32 s18, $0x3;
	s11 =	rddreg [dreg:$0xb];
	[sflag:s7] =	ssyncadd.s32 $0xFFFFF830  }
0x53: {  	[hbm:s11], [sflag:s0] =	dma.local [spmem:s5], $0x10  }
0x54: {  	_ =	swait.ge [sflag:s7], $0x10  }
0x55: {  	[sflag:s7] =	ssyncset.done $0x0;
	s5 =	rddreg [dreg:$0xc]  }
0x56: {  	s11 =	rddreg [dreg:$0x18];
	[sflag:s7] =	ssyncadd.s32 $0xFFFFFFF0  }
0x57: {  	[hbm:s5], [sflag:s0] =	dma.local [spmem:s11], $0x10  }
0x58: {  	_ =	swait.ge [sflag:s7], $0x10  }
0x59: {  	[sflag:s7] =	ssyncset.done $0x0;
	s5 =	rddreg [dreg:$0xd]  }
0x5a: {  	s11 =	rddreg [dreg:$0x19];
	[sflag:s7] =	ssyncadd.s32 $0xFFFFFFF0  }
0x5b: {  	[hbm:s5], [sflag:s0] =	dma.local [spmem:s11], $0x10  }
0x5c: {  	_ =	swait.ge [sflag:s7], $0x10  }
0x5d: {  	[sflag:s7] =	ssyncset.done $0x0;
	s5 =	rddreg [dreg:$0xe]  }
0x5e: {  	s11 =	rddreg [dreg:$0x1a];
	[sflag:s7] =	ssyncadd.s32 $0xFFFFFFF0  }
0x5f: {  	[hbm:s5], [sflag:s0] =	dma.local [spmem:s11], $0x10  }
0x60: {  	_ =	swait.ge [sflag:s7], $0x10  }
0x61: {  	[sflag:s7] =	ssyncset.done $0x0;
	s4 =	rddreg [dreg:$0xf]  }
0x62: {  	s5 =	rddreg [dreg:$0x1b];
	[sflag:s7] =	ssyncadd.s32 $0xFFFFFFF0  }
0x63: {  	[hbm:s4], [sflag:s0] =	dma.local [spmem:s5], $0x10  }
0x64: {  	_ =	swait.ge [sflag:s7], $0x10  }
0x65: {  	s13 =	sadd.s32 $0x1, s13;
	s11 =	rddreg [dreg:$0x12]  }
0x66: {  	p0 =	sne.s32 s13, s11  }
.Ltmp1:
0x67: {  	_ = 	snop;
	(pc) =	sbr.rel @!p0 .LBB2_9-.Ltmp1, $3  }
0x68: {  	_ =	sdelay $0x1  }
0x69: {  	[sflag:s7] =	ssyncset.done $0x0  }
0x6a: {  	[sflag:s7] =	ssyncadd.s32 $0xFFFFFFF0  }
.LBB2_1:
0x6b: {  	s0 =	simm.s32 $0x0;
	s2 =	simm.s32 $0x200  }
.LBB2_2:
0x6c: {  	p0 =	sne.s32 s2, $0x5E00;
	[tilespmem:s0+$0x8A70] =	vst v0  }
0x6d: {  	[tilespmem:s0+$0x8A00] =	vst v0  }
0x6e: {  	[tilespmem:s0+$0x8A10] =	vst v0  }
.Ltmp2:
0x6f: {  	[tilespmem:s0+$0x8A20] =	vst v0;
	(pc) =	sbr.rel @p0 .LBB2_2-.Ltmp2, $4  }
0x70: {  	[tilespmem:s0+$0x8A30] =	vst v0  }
0x71: {  	[tilespmem:s0+$0x8A40] =	vst v0  }
0x72: {  	[tilespmem:s0+$0x8A50] =	vst v0  }
0x73: {  	[tilespmem:s0+$0x8A60] =	vst v0;
	s0 =	sshra.s32 s2, $0x2;
	s2 =	sadd.s32 $0x200, s2  }
0x74: {  	[tilespmem:s0+$0x8A70] =	vst v0  }
0x75: {  	[tilespmem:s0+$0x8A00] =	vst v0  }
0x76: {  	[tilespmem:s0+$0x8A10] =	vst v0  }
0x77: {  	[tilespmem:s0+$0x8A20] =	vst v0  }
0x78: {  	[tilespmem:s0+$0x8A30] =	vst v0  }
0x79: {  	[tilespmem:s0+$0x8A40] =	vst v0  }
0x7a: {  	[tilespmem:s0+$0x8A50] =	vst v0  }
0x7b: {  	[tilespmem:s0+$0x8A60] =	vst v0  }
0x7c: {  	[tilespmem:$0xBAE0] =	vst v0  }
0x7d: {  	[tilespmem:$0xBAF0] =	vst v0  }
0x7e: {  	[tilespmem:$0xBB00] =	vst v0  }
0x7f: {  	[tilespmem:$0xBB10] =	vst v0  }
0x80: {  	[tilespmem:$0xBB20] =	vst v0  }
0x81: {  	[tilespmem:$0xBB30] =	vst v0  }
0x82: {  	[tilespmem:$0xBB40] =	vst v0  }
0x83: {  	s11 =	sadd.s32 $0x0, s22;
	[tilespmem:$0xBB50] =	vst v0  }
0x84: {  	[spmem:s11] =	stream.linear.scatter [tilespmem:s6], [sflag:$0x5], $0xC80, $0x38;
	[tilespmem:$0x1F660] =	vst v63  }
0x85: {  	s0 =	simm.s32 $0x3200;
	_ =	swait.ge [sflag:s7], $0xC80  }
.LBB2_4:
0x86: {  	s2 =	sshra.s32 s0, $0x2;
	[sflag:s7] =	ssyncset.done $0x0;
	p0 =	sne.s32 s0, $0x4B000  }
.Ltmp3:
0x87: {  	s2 =	sadd.s32 s2, s22;
	[sflag:s7] =	ssyncadd.s32 $0xFFFFF380;
	(pc) =	sbr.rel @p0 .LBB2_4-.Ltmp3, $3  }
0x88: {  	[spmem:s2] =	stream.linear.scatter [tilespmem:s6], [sflag:$0x5], $0xC80, $0x38;
	[tilespmem:$0x1F660] =	vst v63  }
0x89: {  	s0 =	sadd.s32 $0x3200, s0;
	_ =	sdelay $0x1  }
0x8a: {  	_ =	swait.ge [sflag:s7], $0xC80  }
0x8b: {  	[sflag:s7] =	ssyncset.done $0x0  }
0x8c: {  	[sflag:s7] =	ssyncadd.s32 $0xFFFFF380  }
0x8d: {  	[spmem:s18] =	stream.linear.scatter [tilespmem:s8], [sflag:$0x5], $0x80, $0x38;
	[tilespmem:$0x1F660] =	vst v63  }
0x8e: {  	_ =	swait.ge [sflag:s7], $0x80  }
0x8f: {  	[sflag:s7] =	ssyncset.done $0x0  }
0x90: {  	s0 =	rddreg [dreg:$0x1c];
	[sflag:s7] =	ssyncadd.s32 $0xFFFFFF80  }
0x91: {  	[spmem:s0] =	stream.linear.scatter [tilespmem:s8], [sflag:$0x5], $0x80, $0x38;
	[tilespmem:$0x1F660] =	vst v63  }
0x92: {  	_ =	swait.ge [sflag:s7], $0x80  }
0x93: {  	[sflag:s7] =	ssyncset.done $0x0  }
0x94: {  	s2 =	rddreg [dreg:$0x1d];
	[sflag:s7] =	ssyncadd.s32 $0xFFFFFF80  }
0x95: {  	[spmem:s2] =	stream.linear.scatter [tilespmem:s8], [sflag:$0x5], $0x80, $0x38;
	[tilespmem:$0x1F660] =	vst v63  }
0x96: {  	_ =	swait.ge [sflag:s7], $0x80  }
0x97: {  	[sflag:s7] =	ssyncset.done $0x0  }
0x98: {  	s4 =	rddreg [dreg:$0x1e];
	[sflag:s7] =	ssyncadd.s32 $0xFFFFFF80  }
0x99: {  	[spmem:s4] =	stream.linear.scatter [tilespmem:s8], [sflag:$0x5], $0x80, $0x38;
	[tilespmem:$0x1F660] =	vst v63  }
0x9a: {  	_ =	swait.ge [sflag:s7], $0x80  }
0x9b: {  	[sflag:s7] =	ssyncset.done $0x0  }
0x9c: {  	s5 =	rddreg [dreg:$0x1f];
	[sflag:s7] =	ssyncadd.s32 $0xFFFFFF80  }
0x9d: {  	[spmem:s5] =	stream.linear.scatter [tilespmem:s8], [sflag:$0x5], $0x80, $0x38;
	[tilespmem:$0x1F660] =	vst v63  }
0x9e: {  	_ =	swait.ge [sflag:s7], $0x80  }
0x9f: {  	[sflag:s7] =	ssyncset.done $0x0  }
0xa0: {  	s11 =	rddreg [dreg:$0x10];
	[sflag:s7] =	ssyncadd.s32 $0xFFFFFF80  }
0xa1: {  	[tilespmem:s3], [sflag:$0x5] =	stream.linear.gather [hbm4b:s11+s3], $0x1A40, $0x38;
	[tilespmem:$0x1F660] =	vst v63  }
0xa2: {  	_ =	swait.ge [sflag:s7], $0x1A40  }
0xa3: {  	[sflag:s7] =	ssyncset.done $0x0  }
0xa4: {  	s2 =	rddreg [dreg:$0x11];
	[sflag:s7] =	ssyncadd.s32 $0xFFFFE5C0  }
0xa5: {  	[tilespmem:s9], [sflag:$0x5] =	stream.linear.gather [hbm4b:s2+s3], $0x2760, $0x38;
	[tilespmem:$0x1F660] =	vst v63  }
0xa6: {  	_ =	swait.ge [sflag:s7], $0x2760  }
0xa7: {  	[sflag:s7] =	ssyncset.done $0x0  }
0xa8: {  	[sflag:s7] =	ssyncadd.s32 $0xFFFFD8A0  }
0xa9: {  	s2 =	simm.s32 $0xBA60;
	s4 =	rddreg [dreg:$0x2]  }
0xaa: {  	[tilespmem:s2], [sflag:$0x5] =	stream.linear.gather [hbm4b:s4+s3], $0x80, $0x38;
	[tilespmem:$0x1F660] =	vst v63  }
0xab: {  	_ =	swait.ge [sflag:s7], $0x80  }
0xac: {  	[sflag:s7] =	ssyncset.done $0x0  }
0xad: {  	[sflag:s7] =	ssyncadd.s32 $0xFFFFFF80  }
0xae: {  	[bflag:$0x0] =	sbarrier.arrive $0xFFFF  }
0xaf: {  	v1 =	vld [tilespmem:$0x0]  }
0xb0: {  	v2 =	vld [tilespmem:$0x10];
	_ =	sdelay $0x4  }
0xb1: {  	v3 =	vand.u32 $0xFFFF, v1;
	[tilespmem:$0x41C0] =	vst v2  }
0xb2: {  	v1 =	vshrl.u32 v1, $0x10;
	[tilespmem:$0x41A0] =	vst v3  }
0xb3: {  	s5 =	simm.s32 $0x41A0;
	[tilespmem:$0x41B0] =	vst v1  }
0xb4: {  	[tilespmem:s15], [sflag:$0x1] =	stream.indirect.gather [hbm4b:s1+s10], $0x80, s5, s10, $0xb8;
	[tilespmem:$0x1F660] =	vst v63  }
0xb5: {  	_ = 	snop  }
0xb6: {  	[tilespmem:s16], [sflag:$0x1] =	stream.indirect.gather [hbm4b:s17+s10], $0x40, s9, s10, $0xb8;
	[tilespmem:$0x1F660] =	vst v63  }
0xb7: {  	v1 =	vld [tilespmem:$0x20]  }
0xb8: {  	v2 =	vld [tilespmem:$0x30];
	_ =	sdelay $0x4  }
0xb9: {  	v3 =	vand.u32 $0xFFFF, v1;
	[tilespmem:$0x41F0] =	vst v2  }
0xba: {  	v1 =	vshrl.u32 v1, $0x10;
	[tilespmem:$0x41D0] =	vst v3  }
0xbb: {  	[tilespmem:$0x41E0] =	vst v1  }
0xbc: {  	[tilespmem:s20], [sflag:$0x2] =	stream.indirect.gather [hbm4b:s1+s10], $0x80, s19, s10, $0xb8;
	[tilespmem:$0x1F660] =	vst v63  }
0xbd: {  	_ = 	snop  }
0xbe: {  	[tilespmem:s23], [sflag:$0x2] =	stream.indirect.gather [hbm4b:s17+s10], $0x40, s21, s10, $0xb8;
	[tilespmem:$0x1F660] =	vst v63  }
0xbf: {  	_ =	swait.ge [sflag:s24], $0x1800  }
0xc0: {  	[sflag:s24] =	ssyncset.done $0x0  }
0xc1: {  	[sflag:s24] =	ssyncadd.s32 $0xFFFFE800  }
0xc2: {  	_ =	swait.ge [sflag:s24], $0xC00  }
0xc3: {  	[sflag:s24] =	ssyncset.done $0x0  }
0xc4: {  	[sflag:s24] =	ssyncadd.s32 $0xFFFFF400  }
0xc5: {  	[spmem:s12] =	stream.indirect.scatter.add.f32 [tilespmem:s6], [sflag:$0x3], $0x80, s9, s10, $0xb8;
	[tilespmem:$0x1F660] =	vst v63  }
0xc6: {  	_ = 	snop  }
0xc7: {  	[spmem:s14] =	stream.indirect.scatter.add.f32 [tilespmem:s25], [sflag:$0x3], $0x1, s9, s10, $0xb8;
	[tilespmem:$0x1F660] =	vst v63  }
0xc8: {  	v1 =	vld [tilespmem:$0x40]  }
0xc9: {  	v2 =	vld [tilespmem:$0x50];
	_ =	sdelay $0x4  }
0xca: {  	v3 =	vand.u32 $0xFFFF, v1;
	[tilespmem:$0x41C0] =	vst v2  }
0xcb: {  	v1 =	vshrl.u32 v1, $0x10;
	[tilespmem:$0x41A0] =	vst v3  }
0xcc: {  	[tilespmem:$0x41B0] =	vst v1  }
0xcd: {  	[tilespmem:s15], [sflag:$0x1] =	stream.indirect.gather [hbm4b:s1+s10], $0x80, s5, s10, $0xb8;
	[tilespmem:$0x1F660] =	vst v63  }
0xce: {  	s11 =	simm.s32 $0x1AA0  }
0xcf: {  	[tilespmem:s16], [sflag:$0x1] =	stream.indirect.gather [hbm4b:s17+s10], $0x40, s11, s10, $0xb8;
	[tilespmem:$0x1F660] =	vst v63  }
0xd0: {  	_ =	swait.ge [sflag:s26], $0x1800  }
0xd1: {  	[sflag:s26] =	ssyncset.done $0x0  }
0xd2: {  	[sflag:s26] =	ssyncadd.s32 $0xFFFFE800  }
0xd3: {  	_ =	swait.ge [sflag:s26], $0xC00  }
0xd4: {  	[sflag:s26] =	ssyncset.done $0x0  }
0xd5: {  	[sflag:s26] =	ssyncadd.s32 $0xFFFFF400  }
0xd6: {  	[spmem:s12] =	stream.indirect.scatter.add.f32 [tilespmem:s28], [sflag:$0x4], $0x80, s21, s10, $0xb8;
	[tilespmem:$0x1F660] =	vst v63  }
0xd7: {  	_ = 	snop  }
0xd8: {  	[spmem:s14] =	stream.indirect.scatter.add.f32 [tilespmem:s29], [sflag:$0x4], $0x1, s21, s10, $0xb8;
	[tilespmem:$0x1F660] =	vst v63  }
0xd9: {  	v1 =	vld [tilespmem:$0x60]  }
0xda: {  	v2 =	vld [tilespmem:$0x70];
	_ =	sdelay $0x4  }
0xdb: {  	v3 =	vand.u32 $0xFFFF, v1;
	[tilespmem:$0x41F0] =	vst v2  }
0xdc: {  	v1 =	vshrl.u32 v1, $0x10;
	[tilespmem:$0x41D0] =	vst v3  }
0xdd: {  	[tilespmem:$0x41E0] =	vst v1  }
0xde: {  	[tilespmem:s20], [sflag:$0x2] =	stream.indirect.gather [hbm4b:s1+s10], $0x80, s19, s10, $0xb8;
	[tilespmem:$0x1F660] =	vst v63  }
0xdf: {  	s0 =	simm.s32 $0x2C0;
	s2 =	simm.s32 $0x1AD0  }
0xe0: {  	[tilespmem:s23], [sflag:$0x2] =	stream.indirect.gather [hbm4b:s17+s10], $0x40, s2, s10, $0xb8;
	[tilespmem:$0x1F660] =	vst v63  }
.LBB2_6:
0xe1: {  	_ =	swait.ge [sflag:s24], $0x1800  }
0xe2: {  	[sflag:s24] =	ssyncset.done $0x0  }
0xe3: {  	[sflag:s24] =	ssyncadd.s32 $0xFFFFE800  }
0xe4: {  	_ =	swait.ge [sflag:s24], $0xC00  }
0xe5: {  	[sflag:s24] =	ssyncset.done $0x0  }
0xe6: {  	[sflag:s24] =	ssyncadd.s32 $0xFFFFF400  }
0xe7: {  	_ =	swait.ge [sflag:s30], $0x1800  }
0xe8: {  	[sflag:s30] =	ssyncset.done $0x0  }
0xe9: {  	[sflag:s30] =	ssyncadd.s32 $0xFFFFE800  }
0xea: {  	_ =	swait.ge [sflag:s30], $0x30  }
0xeb: {  	[sflag:s30] =	ssyncset.done $0x0  }
0xec: {  	s4 =	sadd.s32 $0xFFFFFFD0, s2;
	[sflag:s30] =	ssyncadd.s32 $0xFFFFFFD0  }
0xed: {  	[spmem:s12] =	stream.indirect.scatter.add.f32 [tilespmem:s6], [sflag:$0x3], $0x80, s4, s10, $0xb8;
	[tilespmem:$0x1F660] =	vst v63  }
0xee: {  	p0 =	seq.s32 s0, $0x69C0  }
0xef: {  	[spmem:s14] =	stream.indirect.scatter.add.f32 [tilespmem:s25], [sflag:$0x3], $0x1, s4, s10, $0xb8;
	[tilespmem:$0x1F660] =	vst v63  }
0xf0: {  	s4 =	sshra.s32 @!p0 s0, $0x2  }
0xf1: {  	v1 =	vld @!p0 [tilespmem:s4+$0xFFFFFFD0];
	_ =	sdelay $0x4  }
0xf2: {  	v2 =	vand.u32 @!p0 $0xFFFF, v1  }
0xf3: {  	v1 =	vshrl.u32 @!p0 v1, $0x10;
	[tilespmem:$0x41A0] =	vst @!p0 v2  }
0xf4: {  	[tilespmem:$0x41B0] =	vst @!p0 v1  }
0xf5: {  	v1 =	vld @!p0 [tilespmem:s4+$0xFFFFFFE0];
	_ =	sdelay $0x4  }
0xf6: {  	s5 =	simm.s32 @!p0 $0x41A0;
	s11 =	simm.s32 @!p0 $0x4200;
	s4 =	simm.s32 @!p0 $0x30;
	[tilespmem:$0x41C0] =	vst @!p0 v1  }
0xf7: {  	[tilespmem:s11], [sflag:$0x1] =	stream.indirect.gather @!p0 [hbm4b:s1+s4], $0x80, s5, s4, $0xb8;
	[tilespmem:$0x1F660] =	vst v63  }
0xf8: {  	s5 =	sadd.s32 @!p0 $0x30, s2;
	s11 =	simm.s32 @!p0 $0x7200  }
0xf9: {  	[tilespmem:s11], [sflag:$0x1] =	stream.indirect.gather @!p0 [hbm4b:s17+s4], $0x40, s5, s4, $0xb8;
	[tilespmem:$0x1F660] =	vst v63  }
0xfa: {  	_ =	swait.ge [sflag:s26], $0x1800  }
0xfb: {  	[sflag:s26] =	ssyncset.done $0x0  }
0xfc: {  	[sflag:s26] =	ssyncadd.s32 $0xFFFFE800  }
0xfd: {  	_ =	swait.ge [sflag:s26], $0xC00  }
0xfe: {  	[sflag:s26] =	ssyncset.done $0x0  }
0xff: {  	[sflag:s26] =	ssyncadd.s32 $0xFFFFF400  }
0x100: {  	_ =	swait.ge [sflag:s31], $0x1800  }
0x101: {  	[sflag:s31] =	ssyncset.done $0x0  }
0x102: {  	[sflag:s31] =	ssyncadd.s32 $0xFFFFE800  }
0x103: {  	_ =	swait.ge [sflag:s31], $0x30  }
.Ltmp4:
0x104: {  	[sflag:s31] =	ssyncset.done $0x0;
	(pc) =	sbr.rel @p0 .LBB2_8-.Ltmp4, $4  }
0x105: {  	[sflag:s31] =	ssyncadd.s32 $0xFFFFFFD0  }
0x106: {  	[spmem:s12] =	stream.indirect.scatter.add.f32 [tilespmem:s28], [sflag:$0x4], $0x80, s2, s10, $0xb8;
	[tilespmem:$0x1F660] =	vst v63  }
0x107: {  	_ = 	snop  }
0x108: {  	[spmem:s14] =	stream.indirect.scatter.add.f32 [tilespmem:s29], [sflag:$0x4], $0x1, s2, s10, $0xb8;
	[tilespmem:$0x1F660] =	vst v63  }
0x109: {  	s4 =	sshra.s32 s0, $0x2  }
0x10a: {  	v1 =	vld [tilespmem:s4+$0xFFFFFFF0];
	_ =	sdelay $0x4  }
0x10b: {  	v2 =	vand.u32 $0xFFFF, v1  }
0x10c: {  	v1 =	vshrl.u32 v1, $0x10;
	[tilespmem:$0x41D0] =	vst v2  }
0x10d: {  	[tilespmem:$0x41E0] =	vst v1  }
0x10e: {  	v1 =	vld [tilespmem:s4+$0x0];
	_ =	sdelay $0x3  }
.Ltmp5:
0x10f: {  	_ = 	snop;
	(pc) =	sbr.rel .LBB2_6-.Ltmp5, $4  }
0x110: {  	[tilespmem:$0x41F0] =	vst v1  }
0x111: {  	[tilespmem:s20], [sflag:$0x2] =	stream.indirect.gather [hbm4b:s1+s10], $0x80, s19, s10, $0xb8;
	[tilespmem:$0x1F660] =	vst v63  }
0x112: {  	s2 =	sadd.s32 $0x60, s2;
	s0 =	sadd.s32 $0x100, s0  }
0x113: {  	[tilespmem:s23], [sflag:$0x2] =	stream.indirect.gather [hbm4b:s17+s10], $0x40, s2, s10, $0xb8;
	[tilespmem:$0x1F660] =	vst v63  }
.LBB2_9:
0x114: {  	_ =	sfence.sel $0x180000  }
0x115: {  	[bflag:$0x0] =	sbarrier.arrive $0xFFFF  }
0x116: {  	_ =	strace $0x90000047  }
0x117: {  	s0 =	stileid.u32;
	[bflag:$0x2] =	sbarrier.arrive $0xFFFF  }
0x118: {  	p0 =	sne.s32 s0, $0x0;
	s0 =	rddreg [dreg:$0x5]  }
0x119: {  	s0 =	sadd.s32 @!p0 $0x100000, s0  }
0x11a: {  	[sflag:s0] =	ssyncadd.tile.s32 @!p0 $0x1;
	_ =	shalt  }
.Lfunc_end2:
_tile_overlayer_lowered:
.L_overlay_start_2:
0x11b: {  	(tag) =	ssettag $0x2  }
0x11c: {  	s0 =	rddreg [dreg:$0x0];
	s2 =	stileid.u32  }
0x11d: {  	s1 =	rddreg [dreg:$0x1];
	p0 =	sne.s32 s2, $0x0  }
0x11e: {  	s3 =	rddreg [dreg:$0x2];
	[bflag:$0x3] =	sbarrier.arrive $0xFFFF;
	s2 =	simm.s32 @!p0 $0x1C05  }
0x11f: {  	[timem:s3], [sflag:s2] =	dma.local @!p0 [hbm:s0], s1  }
0x120: {  	s0 =	simm.s32 @!p0 $0x5  }
0x121: {  	_ =	swait.ge @!p0 [sflag:s0], s1  }
0x122: {  	s1 =	ssub.s32 @!p0 $0x0, s1;
	[sflag:s0] =	ssyncset.done @!p0 $0x0  }
0x123: {  	[sflag:s0] =	ssyncadd.s32 @!p0 s1  }
0x124: {  	[bflag:$0x3] =	sbarrier.arrive $0xFFFF  }
0x125: {  	_ =	shalt  }

</sc_bundles>
